<compile_context>
chip_gen: v7x
topology: tpu7x:2x2x1
jax: 0.10.2.dev20260603
libtpu: 0.0.44.dev20260713+nightly
codegen_flags: <defaults>
</compile_context>

<pallas_src>
import functools

import jax
import jax.numpy as jnp
import numpy as np
from jax import lax
from jax.experimental import pallas as pl
from jax.experimental.pallas import tpu as pltpu
from jax.experimental.pallas import tpu_sc as plsc

_T = 1000
_BETA = 0.001
_G = 16
_N_PER = 128
_N = _G * _N_PER
_E = 32768
_D_HID = 256
_NPAIRS = _G * (_N_PER * (_N_PER - 1) // 2)

def _np_threefry_uniform(seed: int, n: int) -> np.ndarray:
    def rotl(x, d):
        return (x << np.uint32(d)) | (x >> np.uint32(32 - d))

    k1, k2 = np.uint32(0), np.uint32(seed)
    ks = [k1, k2, k1 ^ k2 ^ np.uint32(0x1BD11BDA)]
    idx = np.arange(n, dtype=np.uint64)
    c1 = (idx >> np.uint64(32)).astype(np.uint32)
    c2 = (idx & np.uint64(0xFFFFFFFF)).astype(np.uint32)
    rot = [(13, 15, 26, 6), (17, 29, 16, 24)]
    with np.errstate(over="ignore"):
        x = [c1 + ks[0], c2 + ks[1]]

        def rounds(x, rs):
            for r in rs:
                x[0] = x[0] + x[1]
                x[1] = x[0] ^ rotl(x[1], r)
            return x

        x = rounds(x, rot[0]); x[0] += ks[1]; x[1] += ks[2] + np.uint32(1)
        x = rounds(x, rot[1]); x[0] += ks[2]; x[1] += ks[0] + np.uint32(2)
        x = rounds(x, rot[0]); x[0] += ks[0]; x[1] += ks[1] + np.uint32(3)
        x = rounds(x, rot[1]); x[0] += ks[1]; x[1] += ks[2] + np.uint32(4)
        x = rounds(x, rot[0]); x[0] += ks[2]; x[1] += ks[0] + np.uint32(5)
    bits = x[0] ^ x[1]
    fb = (bits >> np.uint32(9)) | np.uint32(0x3F800000)
    return fb.view(np.float32) - np.float32(1.0)


_UFULL = _np_threefry_uniform(42, _N * _N).reshape(_N, _N)
_UBLK = np.stack(
    [_UFULL[g * _N_PER:(g + 1) * _N_PER, g * _N_PER:(g + 1) * _N_PER]
     for g in range(_G)])
del _UFULL

_FLIP = np.float32(0.5) * (np.float32(1.0) - np.power(
    np.float32(1.0 - 2.0 * _BETA),
    np.arange(1, _T + 1, dtype=np.float32)))
_FTAB = np.zeros((1024, 1, 128), np.float32)
_FTAB[:_T, 0, 0] = _FLIP
_F0 = float(np.float32(_FLIP[0]))
_NF0 = float(np.float32(1.0) - np.float32(_FLIP[0]))

_EDGE_CHUNK = _E // 2


def _sc_adj_body(e_hbm, out_hbm, u_v, v_v, blk_v, sem_u, sem_v):
    c = lax.axis_index("c")
    s = lax.axis_index("s")
    wid = s * 2 + c
    g = wid // 2
    parity = wid % 2
    ebase = parity * _EDGE_CHUNK

    cp_u = pltpu.async_copy(e_hbm.at[0, pl.ds(ebase, _EDGE_CHUNK)], u_v,
                            sem_u)
    cp_v = pltpu.async_copy(e_hbm.at[1, pl.ds(ebase, _EDGE_CHUNK)], v_v,
                            sem_v)

    @plsc.parallel_loop(0, _N_PER, unroll=4)
    def _zero(i):
        for jj in range(8):
            blk_v[i, pl.ds(jj * 16, 16)] = jnp.zeros((16,), jnp.float32)

    cp_u.wait()
    cp_v.wait()

    ones = jnp.ones((16,), jnp.float32)

    @plsc.parallel_loop(0, _EDGE_CHUNK // 16, unroll=8)
    def _scan(i):
        off = i * 16
        ue = u_v[pl.ds(off, 16)]
        ve = v_v[pl.ds(off, 16)]
        gu = lax.shift_right_logical(ue, 7)
        gv = lax.shift_right_logical(ve, 7)
        lu = lax.bitwise_and(ue, 127)
        lv = lax.bitwise_and(ve, 127)
        ok = jnp.logical_and(gu == g, gv == g)
        lo = jnp.minimum(lu, lv)
        hi = jnp.maximum(lu, lv)
        plsc.store_scatter(blk_v, [lo, hi], ones, mask=ok)

    pltpu.sync_copy(blk_v, out_hbm.at[parity, g])


_sc_adj_call_cache = []


def _sc_build(edge_index):
    if not _sc_adj_call_cache:
        _sc_adj_call_cache.append(functools.partial(
            pl.kernel,
            out_type=jax.ShapeDtypeStruct((2, _G, _N_PER, _N_PER),
                                          jnp.float32),
            mesh=plsc.VectorSubcoreMesh(core_axis_name="c",
                                        subcore_axis_name="s"),
            compiler_params=pltpu.CompilerParams(needs_layout_passes=False),
            scratch_types=[
                pltpu.VMEM((_EDGE_CHUNK,), jnp.int32),
                pltpu.VMEM((_EDGE_CHUNK,), jnp.int32),
                pltpu.VMEM((_N_PER, _N_PER), jnp.float32),
                pltpu.SemaphoreType.DMA,
                pltpu.SemaphoreType.DMA,
            ],
        )(_sc_adj_body))
    return _sc_adj_call_cache[0](edge_index)


_GPM = 8
_GPL = 8
_NSTEPM = _G // _GPM
_NSTEPL = _G // _GPL


def _tc_mlp_body(t_ref, x_ref, w1_ref, w2_ref, *rest):
    temb_refs, h_ref = rest[:_GPM], rest[-1]
    hp = jax.lax.Precision.DEFAULT
    h1 = lax.dot_general(x_ref[...], w1_ref[...], (((1,), (0,)), ((), ())),
                         precision=hp)
    temb_cat = jnp.concatenate(
        [jnp.broadcast_to(r[0, 0, :], (_N_PER, _D_HID)) for r in temb_refs],
        axis=0)
    h1 = jnp.maximum(h1, 0.0) + temb_cat
    h2 = lax.dot_general(h1, w2_ref[...], (((1,), (0,)), ((), ())),
                         precision=hp)
    h_ref[...] = jnp.maximum(h2, 0.0).astype(jnp.bfloat16)


def _tc_body(t_ref, h_ref, *rest):
    (fp_refs, fe_refs) = (rest[:_GPL], rest[_GPL:2 * _GPL])
    adj_ref, u_ref, out_ref = rest[2 * _GPL], rest[2 * _GPL + 1], rest[-1]
    i = pl.program_id(0)

    hp = jax.lax.Precision.DEFAULT
    h2 = h_ref[...]

    row = lax.broadcasted_iota(jnp.int32, (_N_PER, _N_PER), 0)
    col = lax.broadcasted_iota(jnp.int32, (_N_PER, _N_PER), 1)
    m = col > row

    acc = jnp.zeros((_N_PER, _N_PER), jnp.float32)
    for k in range(_GPL):
        hk = h2[k * _N_PER:(k + 1) * _N_PER, :]
        logits = lax.dot_general(hk, hk, (((1,), (1,)), ((), ())),
                                 precision=hp,
                                 preferred_element_type=jnp.float32) * (
                                     1.0 / 16.0)
        flip_p = fp_refs[k][0, 0, 0]
        nflip_p = 1.0 - flip_p
        flip_e = fe_refs[k][0, 0, 0]
        nflip_e = 1.0 - flip_e
        adj = jnp.maximum(adj_ref[0, k], adj_ref[1, k])
        a = adj > 0.5
        p_flip = jnp.where(a, nflip_e, flip_e)
        noisy = u_ref[k] < p_flip
        lik1 = jnp.where(noisy, _NF0, _F0)
        pri1 = jnp.where(a, nflip_p, flip_p)
        q = lik1 * pri1 * jnp.where(a == noisy, 1.0 / nflip_e, 1.0 / flip_e)
        bce = (jnp.maximum(logits, 0.0) - logits * q +
               jnp.log1p(jnp.exp(-jnp.abs(logits))))
        acc += bce
    part = jnp.sum(jnp.where(m, acc, 0.0)).reshape(1, 1)

    @pl.when(i == 0)
    def _init():
        out_ref[...] = jnp.zeros((1, 1), jnp.float32)

    out_ref[...] += part

    @pl.when(i == _NSTEPL - 1)
    def _final():
        out_ref[...] = out_ref[...] * (1.0 / _NPAIRS)


def _tc_mlp(t, x, W1, W2, temb3):
    temb_specs = [
        pl.BlockSpec((1, 1, _D_HID),
                     (lambda k: lambda i, tr: (tr[_GPM * i + k], 0, 0))(k))
        for k in range(_GPM)
    ]
    grid_spec = pltpu.PrefetchScalarGridSpec(
        num_scalar_prefetch=1,
        grid=(_NSTEPM,),
        in_specs=[
            pl.BlockSpec((_GPM * _N_PER, 128), lambda i, tr: (i, 0)),
            pl.BlockSpec((128, _D_HID), lambda i, tr: (0, 0)),
            pl.BlockSpec((_D_HID, _D_HID), lambda i, tr: (0, 0)),
            *temb_specs,
        ],
        out_specs=pl.BlockSpec((_GPM * _N_PER, _D_HID),
                               lambda i, tr: (i, 0)),
    )
    return pl.pallas_call(
        _tc_mlp_body,
        grid_spec=grid_spec,
        out_shape=jax.ShapeDtypeStruct((_N, _D_HID), jnp.bfloat16),
    )(t, x, W1, W2, *([temb3] * _GPM))


def _tc_loss(t, H, adjh, ublk, ftab):
    fp_specs = [
        pl.BlockSpec((1, 1, 128),
                     (lambda k: lambda i, tr: (tr[_GPL * i + k] - 1, 0, 0))(k))
        for k in range(_GPL)
    ]
    fe_specs = [
        pl.BlockSpec((1, 1, 128),
                     (lambda k: lambda i, tr: (tr[_GPL * i + k], 0, 0))(k))
        for k in range(_GPL)
    ]
    grid_spec = pltpu.PrefetchScalarGridSpec(
        num_scalar_prefetch=1,
        grid=(_NSTEPL,),
        in_specs=[
            pl.BlockSpec((_GPL * _N_PER, _D_HID), lambda i, tr: (i, 0)),
            *fp_specs,
            *fe_specs,
            pl.BlockSpec((2, _GPL, _N_PER, _N_PER),
                         lambda i, tr: (0, i, 0, 0)),
            pl.BlockSpec((_GPL, _N_PER, _N_PER), lambda i, tr: (i, 0, 0)),
        ],
        out_specs=pl.BlockSpec((1, 1), lambda i, tr: (0, 0)),
    )
    out = pl.pallas_call(
        _tc_body,
        grid_spec=grid_spec,
        out_shape=jax.ShapeDtypeStruct((1, 1), jnp.float32),
    )(t, H, *([ftab] * _GPL), *([ftab] * _GPL), adjh, ublk)
    return out[0, 0]


def kernel(x, edge_index, batch, t, W1, W2, temb):
    adjh = _sc_build(edge_index)
    temb3 = temb.reshape(_T, 1, _D_HID)
    H = _tc_mlp(t, x, W1, W2, temb3)
    return _tc_loss(t, H, adjh, jnp.asarray(_UBLK), jnp.asarray(_FTAB))

# --- scband reference (transcript-rebuilt; emitter-appended) ---
"""Pipeline reference for scband-diffusion-21947282883149 (READ-ONLY COPY).

The authoritative reference and input builder live on the scoring server;
editing this copy changes nothing except your own understanding.
"""

import jax, jax.numpy as jnp
import numpy as np

T = 1000
BETA = 0.001
G = 16
N_PER = 128
N = G * N_PER
E = 32768
D_FEAT = 128
D_HID = 256


def _make_Qt():
    t = jnp.arange(1, T + 1, dtype=jnp.float32)
    flip = 0.5 * (1.0 - (1.0 - 2.0 * BETA) ** t)
    nflip = 1.0 - flip
    row0 = jnp.stack([nflip, flip], axis=-1)
    row1 = jnp.stack([flip, nflip], axis=-1)
    Qt = jnp.stack([row0, row1], axis=1)  # (T, 2, 2)
    return Qt


def setup_inputs(seed: int = 0) -> dict:
    key = jax.random.key(seed)
    k1, k2, k3, k4, k5, k6 = jax.random.split(key, 6)
    x = jax.random.normal(k1, (N, D_FEAT), dtype=jnp.float32)
    edge_index = jax.random.randint(k2, (2, E), 0, N, dtype=jnp.int32)
    batch = jnp.repeat(jnp.arange(G, dtype=jnp.int32), N_PER)
    t = jax.random.randint(k3, (G,), 1, T, dtype=jnp.int32)
    W1 = jax.random.normal(k4, (D_FEAT, D_HID), dtype=jnp.float32) / np.sqrt(D_FEAT)
    W2 = jax.random.normal(k5, (D_HID, D_HID), dtype=jnp.float32) / np.sqrt(D_HID)
    temb = jax.random.normal(k6, (T, D_HID), dtype=jnp.float32) * 0.02
    return {"x": x, "edge_index": edge_index, "batch": batch, "t": t, "W1": W1, "W2": W2, "temb": temb}


def reference(x, edge_index, batch, t, W1, W2, temb):
    Qt = _make_Qt()
    # edge_index -> dense symmetric adjacency
    adj = jnp.zeros((N, N), dtype=jnp.int32).at[edge_index[0], edge_index[1]].set(1)
    adj = jnp.clip(adj + adj.T, 0, 1)
    same = batch[:, None] == batch[None, :]
    # forward diffusion: q(x_t | x_0), Categorical sample per possible edge
    Q_batch = Qt[t]  # (G, 2, 2)
    flip_probs = Q_batch[batch[None, :], adj]  # (N, N, 2)
    skey = jax.random.key(42)
    adj_noisy = jax.random.bernoulli(skey, flip_probs[..., 1]).astype(jnp.int32)
    adj_noisy = adj_noisy * same.astype(jnp.int32)
    # backward diffusion: q(x_{t-1} | x_t, x_0) = (Q0_{:,xt} * Qt-1_{x0,:}) / Qt_{x0,xt}
    Q_likelihood = Qt[0]
    Q_prior = Qt[t - 1]
    Q_evidence = Qt[t]
    likelihood = jnp.transpose(Q_likelihood[:, adj_noisy], (1, 2, 0))  # (N, N, 2)
    prior = Q_prior[batch[None, :], adj]  # (N, N, 2)
    evidence = Q_evidence[batch[None, :], adj, adj_noisy][..., None]
    q_backward = likelihood * prior / evidence
    # block-diagonal strict upper-triangular mask (static indices)
    batch_np = np.repeat(np.arange(G, dtype=np.int32), N_PER)
    mask_np = (batch_np[:, None] == batch_np[None, :]) & np.triu(np.ones((N, N), dtype=bool), 1)
    rows, cols = np.nonzero(mask_np)
    q_target = q_backward[rows, cols, 1]
    # denoise_fn: node embedder MLP + time embedding, pairwise edge logits
    h = jax.nn.relu(x @ W1)
    h = h + temb[t][batch]
    h = jax.nn.relu(h @ W2)
    logits = jnp.sum(h[rows] * h[cols], axis=-1) / jnp.sqrt(jnp.float32(D_HID))
    # binary_cross_entropy_with_logits, mean reduction
    loss = jnp.mean(jnp.maximum(logits, 0.0) - logits * q_target + jnp.log1p(jnp.exp(-jnp.abs(logits))))
    return loss

if __name__ == "__main__":
    import jax
    _d = setup_inputs()
    print(jax.jit(kernel)(*tuple(_d.values())))

</pallas_src>

<mosaic_0001>
#map = affine_map<(d0, d1) -> (0, 0)>
#map1 = affine_map<(d0, d1) -> (0, 0, 0, 0)>
module attributes {stable_mosaic.version = 14 : i64} {
  func.func @_sc_adj_body(%arg0: i32, %arg1: i32, %arg2: memref<2x32768xi32, #tpu.memory_space<hbm>>, %arg3: memref<2x16x128x128xf32, #tpu.memory_space<hbm>>, %arg4: memref<16384xi32, #tpu.memory_space<vmem>>, %arg5: memref<16384xi32, #tpu.memory_space<vmem>>, %arg6: memref<128x128xf32, #tpu.memory_space<vmem>>, %arg7: memref<!tpu.dma_semaphore, #tpu.memory_space<semaphore_mem>>, %arg8: memref<!tpu.dma_semaphore, #tpu.memory_space<semaphore_mem>>) attributes {dimension_semantics = [#tpu.dimension_semantics<core_parallel>, #tpu.dimension_semantics<subcore_parallel>], iteration_bounds = array<i64: 2, 16>, scalar_prefetch = 0 : i64, scratch_operands = 5 : i64, tpu.core_type = #tpu.core_type<sc_vector_subcore>, window_params = [{transform_indices = #map}, {transform_indices = #map1}]} {
    %mul3A = arith.constant 2 : i32
    %mul3A_0 = arith.muli %arg1, %mul3A : i32
    %add3A = arith.addi %mul3A_0, %arg0 : i32
    %jit3A = arith.constant 2 : i32
    %div3A = arith.divsi %add3A, %jit3A : i32
    %sign3A = arith.constant 0 : i32
    %sign3A_1 = arith.cmpi sgt, %add3A, %sign3A : i32
    %sign3A_2 = arith.extui %sign3A_1 : i1 to i32
    %sign3A_3 = arith.constant 0 : i32
    %sign3A_4 = arith.cmpi slt, %add3A, %sign3A_3 : i32
    %sign3A_5 = arith.extui %sign3A_4 : i1 to i32
    %sign3A_6 = arith.subi %sign3A_2, %sign3A_5 : i32
    %sign3A_7 = arith.constant 0 : i32
    %sign3A_8 = arith.cmpi sgt, %jit3A, %sign3A_7 : i32
    %sign3A_9 = arith.extui %sign3A_8 : i1 to i32
    %sign3A_10 = arith.constant 0 : i32
    %sign3A_11 = arith.cmpi slt, %jit3A, %sign3A_10 : i32
    %sign3A_12 = arith.extui %sign3A_11 : i1 to i32
    %sign3A_13 = arith.subi %sign3A_9, %sign3A_12 : i32
    %ne3A = arith.cmpi ne, %sign3A_6, %sign3A_13 : i32
    %rem3A = arith.remsi %add3A, %jit3A : i32
    %ne3A_14 = arith.constant 0 : i32
    %ne3A_15 = arith.cmpi ne, %rem3A, %ne3A_14 : i32
    %and3A = arith.andi %ne3A, %ne3A_15 : i1
    %sub3A = arith.constant 1 : i32
    %sub3A_16 = arith.subi %div3A, %sub3A : i32
    %select_n3A = arith.select %and3A, %sub3A_16, %div3A : i32
    %jit3A_17 = arith.constant 2 : i32
    %eq3A = arith.constant 0 : i32
    %eq3A_18 = arith.cmpi eq, %jit3A_17, %eq3A : i32
    %jit3A_19 = arith.constant 1 : i32
    %select_n3A_20 = arith.select %eq3A_18, %jit3A_19, %jit3A_17 : i32
    %rem3A_21 = arith.remsi %add3A, %select_n3A_20 : i32
    %ne3A_22 = arith.constant 0 : i32
    %ne3A_23 = arith.cmpi ne, %rem3A_21, %ne3A_22 : i32
    %lt3A = arith.constant 0 : i32
    %lt3A_24 = arith.cmpi slt, %rem3A_21, %lt3A : i32
    %lt3A_25 = arith.constant 0 : i32
    %lt3A_26 = arith.cmpi slt, %select_n3A_20, %lt3A_25 : i32
    %ne3A_27 = arith.xori %lt3A_24, %lt3A_26 : i1
    %and3A_28 = arith.andi %ne3A_27, %ne3A_23 : i1
    %add3A_29 = arith.addi %rem3A_21, %select_n3A_20 : i32
    %select_n3A_30 = arith.select %and3A_28, %add3A_29, %rem3A_21 : i32
    %mul3A_31 = arith.constant 16384 : i32
    %mul3A_32 = arith.muli %select_n3A_30, %mul3A_31 : i32
    %dma_start3A = arith.constant 0 : i32
    %dma_start3A_33 = tpu.memref_slice %arg2[%dma_start3A, %mul3A_32] : memref<2x32768xi32, #tpu.memory_space<hbm>> -> memref<1x16384xi32, #tpu.memory_space<hbm>>
    %dma_start3A_34 = tpu.memref_squeeze %dma_start3A_33 : memref<1x16384xi32, #tpu.memory_space<hbm>> -> memref<16384xi32, #tpu.memory_space<hbm>>
    %dma_start3A_35 = tpu.memref_slice %arg2[%dma_start3A, %mul3A_32] : memref<2x32768xi32, #tpu.memory_space<hbm>> -> memref<1x16384xi32, #tpu.memory_space<hbm>>
    %dma_start3A_36 = tpu.memref_squeeze %dma_start3A_35 : memref<1x16384xi32, #tpu.memory_space<hbm>> -> memref<16384xi32, #tpu.memory_space<hbm>>
    tpu.enqueue_dma source(%dma_start3A_36 : memref<16384xi32, #tpu.memory_space<hbm>>) target(%arg4 : memref<16384xi32, #tpu.memory_space<vmem>>) target_semaphore(%arg7 : memref<!tpu.dma_semaphore, #tpu.memory_space<semaphore_mem>>)
    %dma_start3A_37 = arith.constant 1 : i32
    %dma_start3A_38 = tpu.memref_slice %arg2[%dma_start3A_37, %mul3A_32] : memref<2x32768xi32, #tpu.memory_space<hbm>> -> memref<1x16384xi32, #tpu.memory_space<hbm>>
    %dma_start3A_39 = tpu.memref_squeeze %dma_start3A_38 : memref<1x16384xi32, #tpu.memory_space<hbm>> -> memref<16384xi32, #tpu.memory_space<hbm>>
    %dma_start3A_40 = tpu.memref_slice %arg2[%dma_start3A_37, %mul3A_32] : memref<2x32768xi32, #tpu.memory_space<hbm>> -> memref<1x16384xi32, #tpu.memory_space<hbm>>
    %dma_start3A_41 = tpu.memref_squeeze %dma_start3A_40 : memref<1x16384xi32, #tpu.memory_space<hbm>> -> memref<16384xi32, #tpu.memory_space<hbm>>
    tpu.enqueue_dma source(%dma_start3A_41 : memref<16384xi32, #tpu.memory_space<hbm>>) target(%arg5 : memref<16384xi32, #tpu.memory_space<vmem>>) target_semaphore(%arg8 : memref<!tpu.dma_semaphore, #tpu.memory_space<semaphore_mem>>)
    %parallel_loop3A = arith.constant 0 : i32
    %parallel_loop3A_42 = arith.constant 128 : i32
    %parallel_loop3A_43 = arith.constant 1 : i32
    scf.for %parallel_loop3A_57 = %parallel_loop3A to %parallel_loop3A_42 step %parallel_loop3A_43  : i32 {
      %parallel_loop3A_58 = arith.constant 0.000000e+00 : f32
      %parallel_loop3A_59 = vector.broadcast %parallel_loop3A_58 : f32 to vector<16xf32>
      %parallel_loop3A_60 = arith.index_cast %parallel_loop3A_57 : i32 to index
      %parallel_loop3A_61 = arith.constant 0 : index
      %parallel_loop3A_62 = tpu.vector_load %arg6[%parallel_loop3A_60, %parallel_loop3A_61] {strides = array<i32>} : memref<128x128xf32, #tpu.memory_space<vmem>>, vector<16xf32>,
      tpu.vector_store %arg6[%parallel_loop3A_60, %parallel_loop3A_61], %parallel_loop3A_59 {strides = array<i32>} : memref<128x128xf32, #tpu.memory_space<vmem>>, vector<16xf32>,
      %parallel_loop3A_63 = arith.constant 0.000000e+00 : f32
      %parallel_loop3A_64 = vector.broadcast %parallel_loop3A_63 : f32 to vector<16xf32>
      %parallel_loop3A_65 = arith.index_cast %parallel_loop3A_57 : i32 to index
      %parallel_loop3A_66 = arith.constant 16 : index
      %parallel_loop3A_67 = tpu.vector_load %arg6[%parallel_loop3A_65, %parallel_loop3A_66] {strides = array<i32>} : memref<128x128xf32, #tpu.memory_space<vmem>>, vector<16xf32>,
      tpu.vector_store %arg6[%parallel_loop3A_65, %parallel_loop3A_66], %parallel_loop3A_64 {strides = array<i32>} : memref<128x128xf32, #tpu.memory_space<vmem>>, vector<16xf32>,
      %parallel_loop3A_68 = arith.constant 0.000000e+00 : f32
      %parallel_loop3A_69 = vector.broadcast %parallel_loop3A_68 : f32 to vector<16xf32>
      %parallel_loop3A_70 = arith.index_cast %parallel_loop3A_57 : i32 to index
      %parallel_loop3A_71 = arith.constant 32 : index
      %parallel_loop3A_72 = tpu.vector_load %arg6[%parallel_loop3A_70, %parallel_loop3A_71] {strides = array<i32>} : memref<128x128xf32, #tpu.memory_space<vmem>>, vector<16xf32>,
      tpu.vector_store %arg6[%parallel_loop3A_70, %parallel_loop3A_71], %parallel_loop3A_69 {strides = array<i32>} : memref<128x128xf32, #tpu.memory_space<vmem>>, vector<16xf32>,
      %parallel_loop3A_73 = arith.constant 0.000000e+00 : f32
      %parallel_loop3A_74 = vector.broadcast %parallel_loop3A_73 : f32 to vector<16xf32>
      %parallel_loop3A_75 = arith.index_cast %parallel_loop3A_57 : i32 to index
      %parallel_loop3A_76 = arith.constant 48 : index
      %parallel_loop3A_77 = tpu.vector_load %arg6[%parallel_loop3A_75, %parallel_loop3A_76] {strides = array<i32>} : memref<128x128xf32, #tpu.memory_space<vmem>>, vector<16xf32>,
      tpu.vector_store %arg6[%parallel_loop3A_75, %parallel_loop3A_76], %parallel_loop3A_74 {strides = array<i32>} : memref<128x128xf32, #tpu.memory_space<vmem>>, vector<16xf32>,
      %parallel_loop3A_78 = arith.constant 0.000000e+00 : f32
      %parallel_loop3A_79 = vector.broadcast %parallel_loop3A_78 : f32 to vector<16xf32>
      %parallel_loop3A_80 = arith.index_cast %parallel_loop3A_57 : i32 to index
      %parallel_loop3A_81 = arith.constant 64 : index
      %parallel_loop3A_82 = tpu.vector_load %arg6[%parallel_loop3A_80, %parallel_loop3A_81] {strides = array<i32>} : memref<128x128xf32, #tpu.memory_space<vmem>>, vector<16xf32>,
      tpu.vector_store %arg6[%parallel_loop3A_80, %parallel_loop3A_81], %parallel_loop3A_79 {strides = array<i32>} : memref<128x128xf32, #tpu.memory_space<vmem>>, vector<16xf32>,
      %parallel_loop3A_83 = arith.constant 0.000000e+00 : f32
      %parallel_loop3A_84 = vector.broadcast %parallel_loop3A_83 : f32 to vector<16xf32>
      %parallel_loop3A_85 = arith.index_cast %parallel_loop3A_57 : i32 to index
      %parallel_loop3A_86 = arith.constant 80 : index
      %parallel_loop3A_87 = tpu.vector_load %arg6[%parallel_loop3A_85, %parallel_loop3A_86] {strides = array<i32>} : memref<128x128xf32, #tpu.memory_space<vmem>>, vector<16xf32>,
      tpu.vector_store %arg6[%parallel_loop3A_85, %parallel_loop3A_86], %parallel_loop3A_84 {strides = array<i32>} : memref<128x128xf32, #tpu.memory_space<vmem>>, vector<16xf32>,
      %parallel_loop3A_88 = arith.constant 0.000000e+00 : f32
      %parallel_loop3A_89 = vector.broadcast %parallel_loop3A_88 : f32 to vector<16xf32>
      %parallel_loop3A_90 = arith.index_cast %parallel_loop3A_57 : i32 to index
      %parallel_loop3A_91 = arith.constant 96 : index
      %parallel_loop3A_92 = tpu.vector_load %arg6[%parallel_loop3A_90, %parallel_loop3A_91] {strides = array<i32>} : memref<128x128xf32, #tpu.memory_space<vmem>>, vector<16xf32>,
      tpu.vector_store %arg6[%parallel_loop3A_90, %parallel_loop3A_91], %parallel_loop3A_89 {strides = array<i32>} : memref<128x128xf32, #tpu.memory_space<vmem>>, vector<16xf32>,
      %parallel_loop3A_93 = arith.constant 0.000000e+00 : f32
      %parallel_loop3A_94 = vector.broadcast %parallel_loop3A_93 : f32 to vector<16xf32>
      %parallel_loop3A_95 = arith.index_cast %parallel_loop3A_57 : i32 to index
      %parallel_loop3A_96 = arith.constant 112 : index
      %parallel_loop3A_97 = tpu.vector_load %arg6[%parallel_loop3A_95, %parallel_loop3A_96] {strides = array<i32>} : memref<128x128xf32, #tpu.memory_space<vmem>>, vector<16xf32>,
      tpu.vector_store %arg6[%parallel_loop3A_95, %parallel_loop3A_96], %parallel_loop3A_94 {strides = array<i32>} : memref<128x128xf32, #tpu.memory_space<vmem>>, vector<16xf32>,
    } {sc.loop_unroll_factor = 4 : i64, sc.parallel_access}
    %dma_wait3A = arith.constant 0 : i32
    %dma_wait3A_44 = tpu.memref_slice %arg2[%dma_wait3A, %mul3A_32] : memref<2x32768xi32, #tpu.memory_space<hbm>> -> memref<1x16384xi32, #tpu.memory_space<hbm>>
    %dma_wait3A_45 = tpu.memref_squeeze %dma_wait3A_44 : memref<1x16384xi32, #tpu.memory_space<hbm>> -> memref<16384xi32, #tpu.memory_space<hbm>>
    %dma_wait3A_46 = tpu.memref_slice %arg2[%dma_wait3A, %mul3A_32] : memref<2x32768xi32, #tpu.memory_space<hbm>> -> memref<1x16384xi32, #tpu.memory_space<hbm>>
    %dma_wait3A_47 = tpu.memref_squeeze %dma_wait3A_46 : memref<1x16384xi32, #tpu.memory_space<hbm>> -> memref<16384xi32, #tpu.memory_space<hbm>>
    tpu.wait_dma2 semaphore(%arg7 : memref<!tpu.dma_semaphore, #tpu.memory_space<semaphore_mem>>) src(%dma_wait3A_47 : memref<16384xi32, #tpu.memory_space<hbm>>) dst(%arg4 : memref<16384xi32, #tpu.memory_space<vmem>>)
    %dma_wait3A_48 = arith.constant 1 : i32
    %dma_wait3A_49 = tpu.memref_slice %arg2[%dma_wait3A_48, %mul3A_32] : memref<2x32768xi32, #tpu.memory_space<hbm>> -> memref<1x16384xi32, #tpu.memory_space<hbm>>
    %dma_wait3A_50 = tpu.memref_squeeze %dma_wait3A_49 : memref<1x16384xi32, #tpu.memory_space<hbm>> -> memref<16384xi32, #tpu.memory_space<hbm>>
    %dma_wait3A_51 = tpu.memref_slice %arg2[%dma_wait3A_48, %mul3A_32] : memref<2x32768xi32, #tpu.memory_space<hbm>> -> memref<1x16384xi32, #tpu.memory_space<hbm>>
    %dma_wait3A_52 = tpu.memref_squeeze %dma_wait3A_51 : memref<1x16384xi32, #tpu.memory_space<hbm>> -> memref<16384xi32, #tpu.memory_space<hbm>>
    tpu.wait_dma2 semaphore(%arg8 : memref<!tpu.dma_semaphore, #tpu.memory_space<semaphore_mem>>) src(%dma_wait3A_52 : memref<16384xi32, #tpu.memory_space<hbm>>) dst(%arg5 : memref<16384xi32, #tpu.memory_space<vmem>>)
    %broadcast_in_dim3A = arith.constant 1.000000e+00 : f32
    %broadcast_in_dim3A_53 = vector.broadcast %broadcast_in_dim3A : f32 to vector<16xf32>
    %parallel_loop3A_54 = arith.constant 0 : i32
    %parallel_loop3A_55 = arith.constant 1024 : i32
    %parallel_loop3A_56 = arith.constant 1 : i32
    scf.for %parallel_loop3A_57 = %parallel_loop3A_54 to %parallel_loop3A_55 step %parallel_loop3A_56  : i32 {
      %parallel_loop3A_58 = arith.constant 16 : i32
      %parallel_loop3A_59 = arith.muli %parallel_loop3A_57, %parallel_loop3A_58 : i32
      %parallel_loop3A_60 = arith.index_cast %parallel_loop3A_59 : i32 to index
      %parallel_loop3A_61 = tpu.vector_load %arg4[%parallel_loop3A_60] {strides = array<i32>} : memref<16384xi32, #tpu.memory_space<vmem>>, vector<16xi32>,
      %parallel_loop3A_62 = arith.index_cast %parallel_loop3A_59 : i32 to index
      %parallel_loop3A_63 = tpu.vector_load %arg5[%parallel_loop3A_62] {strides = array<i32>} : memref<16384xi32, #tpu.memory_space<vmem>>, vector<16xi32>,
      %parallel_loop3A_64 = arith.constant 7 : i32
      %parallel_loop3A_65 = vector.broadcast %parallel_loop3A_64 : i32 to vector<16xi32>
      %parallel_loop3A_66 = arith.shrui %parallel_loop3A_61, %parallel_loop3A_65 : vector<16xi32>
      %parallel_loop3A_67 = arith.constant 7 : i32
      %parallel_loop3A_68 = vector.broadcast %parallel_loop3A_67 : i32 to vector<16xi32>
      %parallel_loop3A_69 = arith.shrui %parallel_loop3A_63, %parallel_loop3A_68 : vector<16xi32>
      %parallel_loop3A_70 = arith.constant 127 : i32
      %parallel_loop3A_71 = vector.broadcast %parallel_loop3A_70 : i32 to vector<16xi32>
      %parallel_loop3A_72 = arith.andi %parallel_loop3A_61, %parallel_loop3A_71 : vector<16xi32>
      %parallel_loop3A_73 = arith.constant 127 : i32
      %parallel_loop3A_74 = vector.broadcast %parallel_loop3A_73 : i32 to vector<16xi32>
      %parallel_loop3A_75 = arith.andi %parallel_loop3A_63, %parallel_loop3A_74 : vector<16xi32>
      %parallel_loop3A_76 = vector.broadcast %select_n3A : i32 to vector<16xi32>
      %parallel_loop3A_77 = arith.cmpi eq, %parallel_loop3A_66, %parallel_loop3A_76 : vector<16xi32>
      %parallel_loop3A_78 = vector.broadcast %select_n3A : i32 to vector<16xi32>
      %parallel_loop3A_79 = arith.cmpi eq, %parallel_loop3A_69, %parallel_loop3A_78 : vector<16xi32>
      %parallel_loop3A_80 = arith.andi %parallel_loop3A_77, %parallel_loop3A_79 : vector<16xi1>
      %parallel_loop3A_81 = arith.minsi %parallel_loop3A_72, %parallel_loop3A_75 : vector<16xi32>
      %parallel_loop3A_82 = arith.maxsi %parallel_loop3A_72, %parallel_loop3A_75 : vector<16xi32>
      tpu.vector_store_idx %arg6[%parallel_loop3A_81, %parallel_loop3A_82], %broadcast_in_dim3A_53 masked %parallel_loop3A_80 : memref<128x128xf32, #tpu.memory_space<vmem>>[vector<16xi32>, vector<16xi32>], vector<16xf32>, vector<16xi1>
    } {sc.loop_unroll_factor = 8 : i64, sc.parallel_access}
    "tpu.region"() ({
      %run_scoped3A = tpu.sem_alloc : memref<!tpu.dma_semaphore, #tpu.memory_space<semaphore_mem>>
      %dma_start3A_57 = arith.constant 0 : i32
      %dma_start3A_58 = arith.constant 0 : i32
      %dma_start3A_59 = tpu.memref_slice %arg3[%select_n3A_30, %select_n3A, %dma_start3A_57, %dma_start3A_58] : memref<2x16x128x128xf32, #tpu.memory_space<hbm>> -> memref<1x1x128x128xf32, #tpu.memory_space<hbm>>
      %dma_start3A_60 = tpu.memref_squeeze %dma_start3A_59 : memref<1x1x128x128xf32, #tpu.memory_space<hbm>> -> memref<128x128xf32, #tpu.memory_space<hbm>>
      %dma_start3A_61 = arith.constant 0 : i32
      %dma_start3A_62 = arith.constant 0 : i32
      %dma_start3A_63 = tpu.memref_slice %arg3[%select_n3A_30, %select_n3A, %dma_start3A_61, %dma_start3A_62] : memref<2x16x128x128xf32, #tpu.memory_space<hbm>> -> memref<1x1x128x128xf32, #tpu.memory_space<hbm>>
      %dma_start3A_64 = tpu.memref_squeeze %dma_start3A_63 : memref<1x1x128x128xf32, #tpu.memory_space<hbm>> -> memref<128x128xf32, #tpu.memory_space<hbm>>
      tpu.enqueue_dma source(%arg6 : memref<128x128xf32, #tpu.memory_space<vmem>>) target(%dma_start3A_64 : memref<128x128xf32, #tpu.memory_space<hbm>>) target_semaphore(%run_scoped3A : memref<!tpu.dma_semaphore, #tpu.memory_space<semaphore_mem>>)
      %dma_wait3A_65 = arith.constant 0 : i32
      %dma_wait3A_66 = arith.constant 0 : i32
      %dma_wait3A_67 = tpu.memref_slice %arg3[%select_n3A_30, %select_n3A, %dma_wait3A_65, %dma_wait3A_66] : memref<2x16x128x128xf32, #tpu.memory_space<hbm>> -> memref<1x1x128x128xf32, #tpu.memory_space<hbm>>
      %dma_wait3A_68 = tpu.memref_squeeze %dma_wait3A_67 : memref<1x1x128x128xf32, #tpu.memory_space<hbm>> -> memref<128x128xf32, #tpu.memory_space<hbm>>
      %dma_wait3A_69 = arith.constant 0 : i32
      %dma_wait3A_70 = arith.constant 0 : i32
      %dma_wait3A_71 = tpu.memref_slice %arg3[%select_n3A_30, %select_n3A, %dma_wait3A_69, %dma_wait3A_70] : memref<2x16x128x128xf32, #tpu.memory_space<hbm>> -> memref<1x1x128x128xf32, #tpu.memory_space<hbm>>
      %dma_wait3A_72 = tpu.memref_squeeze %dma_wait3A_71 : memref<1x1x128x128xf32, #tpu.memory_space<hbm>> -> memref<128x128xf32, #tpu.memory_space<hbm>>
      tpu.wait_dma2 semaphore(%run_scoped3A : memref<!tpu.dma_semaphore, #tpu.memory_space<semaphore_mem>>) src(%arg6 : memref<128x128xf32, #tpu.memory_space<vmem>>) dst(%dma_wait3A_72 : memref<128x128xf32, #tpu.memory_space<hbm>>)
      tpu.yield
    }) : () -> ()
    return
  }
}

module attributes {stable_mosaic.version = 14 : i64} {
  func.func @_tc_body(%arg0: i32, %arg1: memref<16xi32, #tpu.memory_space<smem>>, %arg2: memref<1024x256xbf16, #tpu.memory_space<vmem>>, %arg3: memref<1x1x128xf32, #tpu.memory_space<vmem>>, %arg4: memref<1x1x128xf32, #tpu.memory_space<vmem>>, %arg5: memref<1x1x128xf32, #tpu.memory_space<vmem>>, %arg6: memref<1x1x128xf32, #tpu.memory_space<vmem>>, %arg7: memref<1x1x128xf32, #tpu.memory_space<vmem>>, %arg8: memref<1x1x128xf32, #tpu.memory_space<vmem>>, %arg9: memref<1x1x128xf32, #tpu.memory_space<vmem>>, %arg10: memref<1x1x128xf32, #tpu.memory_space<vmem>>, %arg11: memref<1x1x128xf32, #tpu.memory_space<vmem>>, %arg12: memref<1x1x128xf32, #tpu.memory_space<vmem>>, %arg13: memref<1x1x128xf32, #tpu.memory_space<vmem>>, %arg14: memref<1x1x128xf32, #tpu.memory_space<vmem>>, %arg15: memref<1x1x128xf32, #tpu.memory_space<vmem>>, %arg16: memref<1x1x128xf32, #tpu.memory_space<vmem>>, %arg17: memref<1x1x128xf32, #tpu.memory_space<vmem>>, %arg18: memref<1x1x128xf32, #tpu.memory_space<vmem>>, %arg19: memref<2x8x128x128xf32, #tpu.memory_space<vmem>>, %arg20: memref<8x128x128xf32, #tpu.memory_space<vmem>>, %arg21: memref<1x1xf32, #tpu.memory_space<vmem>>) attributes {dimension_semantics = [#tpu.dimension_semantics<arbitrary>], iteration_bounds = array<i64: 2>, scalar_prefetch = 1 : i64, scratch_operands = 0 : i64, tpu.core_type = #tpu.core_type<tc>, window_params = [{transform_indices = @transform_0, window_bounds = array<i64: 1024, 256>}, {transform_indices = @transform_1, window_bounds = array<i64: 1, 1, 128>}, {transform_indices = @transform_2, window_bounds = array<i64: 1, 1, 128>}, {transform_indices = @transform_3, window_bounds = array<i64: 1, 1, 128>}, {transform_indices = @transform_4, window_bounds = array<i64: 1, 1, 128>}, {transform_indices = @transform_5, window_bounds = array<i64: 1, 1, 128>}, {transform_indices = @transform_6, window_bounds = array<i64: 1, 1, 128>}, {transform_indices = @transform_7, window_bounds = array<i64: 1, 1, 128>}, {transform_indices = @transform_8, window_bounds = array<i64: 1, 1, 128>}, {transform_indices = @transform_9, window_bounds = array<i64: 1, 1, 128>}, {transform_indices = @transform_10, window_bounds = array<i64: 1, 1, 128>}, {transform_indices = @transform_11, window_bounds = array<i64: 1, 1, 128>}, {transform_indices = @transform_12, window_bounds = array<i64: 1, 1, 128>}, {transform_indices = @transform_13, window_bounds = array<i64: 1, 1, 128>}, {transform_indices = @transform_14, window_bounds = array<i64: 1, 1, 128>}, {transform_indices = @transform_15, window_bounds = array<i64: 1, 1, 128>}, {transform_indices = @transform_16, window_bounds = array<i64: 1, 1, 128>}, {transform_indices = @transform_17, window_bounds = array<i64: 2, 8, 128, 128>}, {transform_indices = @transform_18, window_bounds = array<i64: 8, 128, 128>}, {pipeline_mode = #tpu.pipeline_mode<synchronous>, transform_indices = @transform_19, window_bounds = array<i64: 1, 1>}]} {
    %get3A = arith.constant 0 : index
    %get3A_0 = arith.constant 0 : index
    %get3A_1 = vector.load %arg2[%get3A, %get3A_0] : memref<1024x256xbf16, #tpu.memory_space<vmem>>, vector<1024x256xbf16>
    %iota3A = tpu.iota {dimensions = array<i32: 0>} : vector<128x128xi32>
    %iota3A_2 = tpu.iota {dimensions = array<i32: 1>} : vector<128x128xi32>
    %gt3A = arith.cmpi sgt, %iota3A_2, %iota3A : vector<128x128xi32>
    %broadcast_in_dim3A = arith.constant 0.000000e+00 : f32
    %broadcast_in_dim3A_3 = vector.broadcast %broadcast_in_dim3A : f32 to vector<128x128xf32>
    %slice3A = vector.extract_strided_slice %get3A_1 {offsets = [0, 0], sizes = [128, 256], strides = [1, 1]} : vector<1024x256xbf16> to vector<128x256xbf16>
    %dot_general3A = arith.constant dense<0.000000e+00> : vector<128x128xf32>
    %dot_general3A_4 = tpu.matmul %slice3A, %slice3A, %dot_general3A {dimension_numbers = #tpu.dot_dimension_numbers<[1], [1], [0], [0], [0, 0, 1, 0], [], []>, transpose_lhs_hint = false} : vector<128x256xbf16>, vector<128x256xbf16>, vector<128x128xf32> -> vector<128x128xf32>
    %mul3A = arith.constant 6.250000e-02 : f32
    %mul3A_5 = vector.broadcast %mul3A : f32 to vector<128x128xf32>
    %mul3A_6 = arith.mulf %dot_general3A_4, %mul3A_5 : vector<128x128xf32>
    %get3A_7 = arith.constant 0 : index
    %get3A_8 = arith.constant 0 : index
    %get3A_9 = arith.constant 0 : index
    %get3A_10 = vector.load %arg3[%get3A_7, %get3A_8, %get3A_9] : memref<1x1x128xf32, #tpu.memory_space<vmem>>, vector<1x1x1xf32>
    %get3A_11 = vector.extract %get3A_10[0, 0, 0] : f32 from vector<1x1x1xf32>
    %sub3A = arith.constant 1.000000e+00 : f32
    %sub3A_12 = arith.subf %sub3A, %get3A_11 : f32
    %get3A_13 = arith.constant 0 : index
    %get3A_14 = arith.constant 0 : index
    %get3A_15 = arith.constant 0 : index
    %get3A_16 = vector.load %arg11[%get3A_13, %get3A_14, %get3A_15] : memref<1x1x128xf32, #tpu.memory_space<vmem>>, vector<1x1x1xf32>
    %get3A_17 = vector.extract %get3A_16[0, 0, 0] : f32 from vector<1x1x1xf32>
    %sub3A_18 = arith.constant 1.000000e+00 : f32
    %sub3A_19 = arith.subf %sub3A_18, %get3A_17 : f32
    %get3A_20 = arith.constant 0 : index
    %get3A_21 = arith.constant 0 : index
    %get3A_22 = arith.constant 0 : index
    %get3A_23 = arith.constant 0 : index
    %get3A_24 = vector.load %arg19[%get3A_20, %get3A_21, %get3A_22, %get3A_23] : memref<2x8x128x128xf32, #tpu.memory_space<vmem>>, vector<1x1x128x128xf32>
    %get3A_25 = vector.shape_cast %get3A_24 : vector<1x1x128x128xf32> to vector<128x128xf32>
    %get3A_26 = arith.constant 1 : index
    %get3A_27 = arith.constant 0 : index
    %get3A_28 = arith.constant 0 : index
    %get3A_29 = arith.constant 0 : index
    %get3A_30 = vector.load %arg19[%get3A_26, %get3A_27, %get3A_28, %get3A_29] : memref<2x8x128x128xf32, #tpu.memory_space<vmem>>, vector<1x1x128x128xf32>
    %get3A_31 = vector.shape_cast %get3A_30 : vector<1x1x128x128xf32> to vector<128x128xf32>
    %max3A = arith.maximumf %get3A_25, %get3A_31 : vector<128x128xf32>
    %gt3A_32 = arith.constant 5.000000e-01 : f32
    %gt3A_33 = vector.broadcast %gt3A_32 : f32 to vector<128x128xf32>
    %gt3A_34 = arith.cmpf ogt, %max3A, %gt3A_33 : vector<128x128xf32>
    %broadcast_in_dim3A_35 = vector.broadcast %sub3A_19 : f32 to vector<128x128xf32>
    %broadcast_in_dim3A_36 = vector.broadcast %get3A_17 : f32 to vector<128x128xf32>
    %select_n3A = arith.select %gt3A_34, %broadcast_in_dim3A_35, %broadcast_in_dim3A_36 : vector<128x128xi1>, vector<128x128xf32>
    %get3A_37 = arith.constant 0 : index
    %get3A_38 = arith.constant 0 : index
    %get3A_39 = arith.constant 0 : index
    %get3A_40 = vector.load %arg20[%get3A_37, %get3A_38, %get3A_39] : memref<8x128x128xf32, #tpu.memory_space<vmem>>, vector<1x128x128xf32>
    %get3A_41 = vector.shape_cast %get3A_40 : vector<1x128x128xf32> to vector<128x128xf32>
    %lt3A = arith.cmpf olt, %get3A_41, %select_n3A : vector<128x128xf32>
    %jit3A = arith.constant 9.990000e-01 : f32
    %jit3A_42 = arith.constant 9.99987125E-4 : f32
    %broadcast_in_dim3A_43 = vector.broadcast %jit3A : f32 to vector<128x128xf32>
    %broadcast_in_dim3A_44 = vector.broadcast %jit3A_42 : f32 to vector<128x128xf32>
    %select_n3A_45 = arith.select %lt3A, %broadcast_in_dim3A_43, %broadcast_in_dim3A_44 : vector<128x128xi1>, vector<128x128xf32>
    %broadcast_in_dim3A_46 = vector.broadcast %sub3A_12 : f32 to vector<128x128xf32>
    %broadcast_in_dim3A_47 = vector.broadcast %get3A_11 : f32 to vector<128x128xf32>
    %select_n3A_48 = arith.select %gt3A_34, %broadcast_in_dim3A_46, %broadcast_in_dim3A_47 : vector<128x128xi1>, vector<128x128xf32>
    %mul3A_49 = arith.mulf %select_n3A_45, %select_n3A_48 : vector<128x128xf32>
    %eq3A = arith.xori %gt3A_34, %lt3A : vector<128x128xi1>
    %eq3A_50 = arith.constant dense<true> : vector<128x128xi1>
    %eq3A_51 = arith.xori %eq3A, %eq3A_50 : vector<128x128xi1>
    %div3A = arith.constant 1.000000e+00 : f32
    %div3A_52 = arith.divf %div3A, %sub3A_19 : f32
    %div3A_53 = arith.constant 1.000000e+00 : f32
    %div3A_54 = arith.divf %div3A_53, %get3A_17 : f32
    %broadcast_in_dim3A_55 = vector.broadcast %div3A_52 : f32 to vector<128x128xf32>
    %broadcast_in_dim3A_56 = vector.broadcast %div3A_54 : f32 to vector<128x128xf32>
    %select_n3A_57 = arith.select %eq3A_51, %broadcast_in_dim3A_55, %broadcast_in_dim3A_56 : vector<128x128xi1>, vector<128x128xf32>
    %mul3A_58 = arith.mulf %mul3A_49, %select_n3A_57 : vector<128x128xf32>
    %max3A_59 = arith.constant 0.000000e+00 : f32
    %max3A_60 = vector.broadcast %max3A_59 : f32 to vector<128x128xf32>
    %max3A_61 = arith.maximumf %mul3A_6, %max3A_60 : vector<128x128xf32>
    %mul3A_62 = arith.mulf %mul3A_6, %mul3A_58 : vector<128x128xf32>
    %sub3A_63 = arith.subf %max3A_61, %mul3A_62 : vector<128x128xf32>
    %abs3A = math.absf %mul3A_6 : vector<128x128xf32>
    %neg3A = arith.constant 0.000000e+00 : f32
    %neg3A_64 = vector.broadcast %neg3A : f32 to vector<128x128xf32>
    %neg3A_65 = arith.subf %neg3A_64, %abs3A : vector<128x128xf32>
    %exp3A = math.exp %neg3A_65 : vector<128x128xf32>
    %log1p3A = math.log1p %exp3A : vector<128x128xf32>
    %add3A = arith.addf %sub3A_63, %log1p3A : vector<128x128xf32>
    %add3A_66 = arith.addf %broadcast_in_dim3A_3, %add3A : vector<128x128xf32>
    %slice3A_67 = vector.extract_strided_slice %get3A_1 {offsets = [128, 0], sizes = [128, 256], strides = [1, 1]} : vector<1024x256xbf16> to vector<128x256xbf16>
    %dot_general3A_68 = arith.constant dense<0.000000e+00> : vector<128x128xf32>
    %dot_general3A_69 = tpu.matmul %slice3A_67, %slice3A_67, %dot_general3A_68 {dimension_numbers = #tpu.dot_dimension_numbers<[1], [1], [0], [0], [0, 0, 1, 0], [], []>, transpose_lhs_hint = false} : vector<128x256xbf16>, vector<128x256xbf16>, vector<128x128xf32> -> vector<128x128xf32>
    %mul3A_70 = arith.constant 6.250000e-02 : f32
    %mul3A_71 = vector.broadcast %mul3A_70 : f32 to vector<128x128xf32>
    %mul3A_72 = arith.mulf %dot_general3A_69, %mul3A_71 : vector<128x128xf32>
    %get3A_73 = arith.constant 0 : index
    %get3A_74 = arith.constant 0 : index
    %get3A_75 = arith.constant 0 : index
    %get3A_76 = vector.load %arg4[%get3A_73, %get3A_74, %get3A_75] : memref<1x1x128xf32, #tpu.memory_space<vmem>>, vector<1x1x1xf32>
    %get3A_77 = vector.extract %get3A_76[0, 0, 0] : f32 from vector<1x1x1xf32>
    %sub3A_78 = arith.constant 1.000000e+00 : f32
    %sub3A_79 = arith.subf %sub3A_78, %get3A_77 : f32
    %get3A_80 = arith.constant 0 : index
    %get3A_81 = arith.constant 0 : index
    %get3A_82 = arith.constant 0 : index
    %get3A_83 = vector.load %arg12[%get3A_80, %get3A_81, %get3A_82] : memref<1x1x128xf32, #tpu.memory_space<vmem>>, vector<1x1x1xf32>
    %get3A_84 = vector.extract %get3A_83[0, 0, 0] : f32 from vector<1x1x1xf32>
    %sub3A_85 = arith.constant 1.000000e+00 : f32
    %sub3A_86 = arith.subf %sub3A_85, %get3A_84 : f32
    %get3A_87 = arith.constant 0 : index
    %get3A_88 = arith.constant 1 : index
    %get3A_89 = arith.constant 0 : index
    %get3A_90 = arith.constant 0 : index
    %get3A_91 = vector.load %arg19[%get3A_87, %get3A_88, %get3A_89, %get3A_90] : memref<2x8x128x128xf32, #tpu.memory_space<vmem>>, vector<1x1x128x128xf32>
    %get3A_92 = vector.shape_cast %get3A_91 : vector<1x1x128x128xf32> to vector<128x128xf32>
    %get3A_93 = arith.constant 1 : index
    %get3A_94 = arith.constant 1 : index
    %get3A_95 = arith.constant 0 : index
    %get3A_96 = arith.constant 0 : index
    %get3A_97 = vector.load %arg19[%get3A_93, %get3A_94, %get3A_95, %get3A_96] : memref<2x8x128x128xf32, #tpu.memory_space<vmem>>, vector<1x1x128x128xf32>
    %get3A_98 = vector.shape_cast %get3A_97 : vector<1x1x128x128xf32> to vector<128x128xf32>
    %max3A_99 = arith.maximumf %get3A_92, %get3A_98 : vector<128x128xf32>
    %gt3A_100 = arith.constant 5.000000e-01 : f32
    %gt3A_101 = vector.broadcast %gt3A_100 : f32 to vector<128x128xf32>
    %gt3A_102 = arith.cmpf ogt, %max3A_99, %gt3A_101 : vector<128x128xf32>
    %broadcast_in_dim3A_103 = vector.broadcast %sub3A_86 : f32 to vector<128x128xf32>
    %broadcast_in_dim3A_104 = vector.broadcast %get3A_84 : f32 to vector<128x128xf32>
    %select_n3A_105 = arith.select %gt3A_102, %broadcast_in_dim3A_103, %broadcast_in_dim3A_104 : vector<128x128xi1>, vector<128x128xf32>
    %get3A_106 = arith.constant 1 : index
    %get3A_107 = arith.constant 0 : index
    %get3A_108 = arith.constant 0 : index
    %get3A_109 = vector.load %arg20[%get3A_106, %get3A_107, %get3A_108] : memref<8x128x128xf32, #tpu.memory_space<vmem>>, vector<1x128x128xf32>
    %get3A_110 = vector.shape_cast %get3A_109 : vector<1x128x128xf32> to vector<128x128xf32>
    %lt3A_111 = arith.cmpf olt, %get3A_110, %select_n3A_105 : vector<128x128xf32>
    %jit3A_112 = arith.constant 9.990000e-01 : f32
    %jit3A_113 = arith.constant 9.99987125E-4 : f32
    %broadcast_in_dim3A_114 = vector.broadcast %jit3A_112 : f32 to vector<128x128xf32>
    %broadcast_in_dim3A_115 = vector.broadcast %jit3A_113 : f32 to vector<128x128xf32>
    %select_n3A_116 = arith.select %lt3A_111, %broadcast_in_dim3A_114, %broadcast_in_dim3A_115 : vector<128x128xi1>, vector<128x128xf32>
    %broadcast_in_dim3A_117 = vector.broadcast %sub3A_79 : f32 to vector<128x128xf32>
    %broadcast_in_dim3A_118 = vector.broadcast %get3A_77 : f32 to vector<128x128xf32>
    %select_n3A_119 = arith.select %gt3A_102, %broadcast_in_dim3A_117, %broadcast_in_dim3A_118 : vector<128x128xi1>, vector<128x128xf32>
    %mul3A_120 = arith.mulf %select_n3A_116, %select_n3A_119 : vector<128x128xf32>
    %eq3A_121 = arith.xori %gt3A_102, %lt3A_111 : vector<128x128xi1>
    %eq3A_122 = arith.constant dense<true> : vector<128x128xi1>
    %eq3A_123 = arith.xori %eq3A_121, %eq3A_122 : vector<128x128xi1>
    %div3A_124 = arith.constant 1.000000e+00 : f32
    %div3A_125 = arith.divf %div3A_124, %sub3A_86 : f32
    %div3A_126 = arith.constant 1.000000e+00 : f32
    %div3A_127 = arith.divf %div3A_126, %get3A_84 : f32
    %broadcast_in_dim3A_128 = vector.broadcast %div3A_125 : f32 to vector<128x128xf32>
    %broadcast_in_dim3A_129 = vector.broadcast %div3A_127 : f32 to vector<128x128xf32>
    %select_n3A_130 = arith.select %eq3A_123, %broadcast_in_dim3A_128, %broadcast_in_dim3A_129 : vector<128x128xi1>, vector<128x128xf32>
    %mul3A_131 = arith.mulf %mul3A_120, %select_n3A_130 : vector<128x128xf32>
    %max3A_132 = arith.constant 0.000000e+00 : f32
    %max3A_133 = vector.broadcast %max3A_132 : f32 to vector<128x128xf32>
    %max3A_134 = arith.maximumf %mul3A_72, %max3A_133 : vector<128x128xf32>
    %mul3A_135 = arith.mulf %mul3A_72, %mul3A_131 : vector<128x128xf32>
    %sub3A_136 = arith.subf %max3A_134, %mul3A_135 : vector<128x128xf32>
    %abs3A_137 = math.absf %mul3A_72 : vector<128x128xf32>
    %neg3A_138 = arith.constant 0.000000e+00 : f32
    %neg3A_139 = vector.broadcast %neg3A_138 : f32 to vector<128x128xf32>
    %neg3A_140 = arith.subf %neg3A_139, %abs3A_137 : vector<128x128xf32>
    %exp3A_141 = math.exp %neg3A_140 : vector<128x128xf32>
    %log1p3A_142 = math.log1p %exp3A_141 : vector<128x128xf32>
    %add3A_143 = arith.addf %sub3A_136, %log1p3A_142 : vector<128x128xf32>
    %add3A_144 = arith.addf %add3A_66, %add3A_143 : vector<128x128xf32>
    %slice3A_145 = vector.extract_strided_slice %get3A_1 {offsets = [256, 0], sizes = [128, 256], strides = [1, 1]} : vector<1024x256xbf16> to vector<128x256xbf16>
    %dot_general3A_146 = arith.constant dense<0.000000e+00> : vector<128x128xf32>
    %dot_general3A_147 = tpu.matmul %slice3A_145, %slice3A_145, %dot_general3A_146 {dimension_numbers = #tpu.dot_dimension_numbers<[1], [1], [0], [0], [0, 0, 1, 0], [], []>, transpose_lhs_hint = false} : vector<128x256xbf16>, vector<128x256xbf16>, vector<128x128xf32> -> vector<128x128xf32>
    %mul3A_148 = arith.constant 6.250000e-02 : f32
    %mul3A_149 = vector.broadcast %mul3A_148 : f32 to vector<128x128xf32>
    %mul3A_150 = arith.mulf %dot_general3A_147, %mul3A_149 : vector<128x128xf32>
    %get3A_151 = arith.constant 0 : index
    %get3A_152 = arith.constant 0 : index
    %get3A_153 = arith.constant 0 : index
    %get3A_154 = vector.load %arg5[%get3A_151, %get3A_152, %get3A_153] : memref<1x1x128xf32, #tpu.memory_space<vmem>>, vector<1x1x1xf32>
    %get3A_155 = vector.extract %get3A_154[0, 0, 0] : f32 from vector<1x1x1xf32>
    %sub3A_156 = arith.constant 1.000000e+00 : f32
    %sub3A_157 = arith.subf %sub3A_156, %get3A_155 : f32
    %get3A_158 = arith.constant 0 : index
    %get3A_159 = arith.constant 0 : index
    %get3A_160 = arith.constant 0 : index
    %get3A_161 = vector.load %arg13[%get3A_158, %get3A_159, %get3A_160] : memref<1x1x128xf32, #tpu.memory_space<vmem>>, vector<1x1x1xf32>
    %get3A_162 = vector.extract %get3A_161[0, 0, 0] : f32 from vector<1x1x1xf32>
    %sub3A_163 = arith.constant 1.000000e+00 : f32
    %sub3A_164 = arith.subf %sub3A_163, %get3A_162 : f32
    %get3A_165 = arith.constant 0 : index
    %get3A_166 = arith.constant 2 : index
    %get3A_167 = arith.constant 0 : index
    %get3A_168 = arith.constant 0 : index
    %get3A_169 = vector.load %arg19[%get3A_165, %get3A_166, %get3A_167, %get3A_168] : memref<2x8x128x128xf32, #tpu.memory_space<vmem>>, vector<1x1x128x128xf32>
    %get3A_170 = vector.shape_cast %get3A_169 : vector<1x1x128x128xf32> to vector<128x128xf32>
    %get3A_171 = arith.constant 1 : index
    %get3A_172 = arith.constant 2 : index
    %get3A_173 = arith.constant 0 : index
    %get3A_174 = arith.constant 0 : index
    %get3A_175 = vector.load %arg19[%get3A_171, %get3A_172, %get3A_173, %get3A_174] : memref<2x8x128x128xf32, #tpu.memory_space<vmem>>, vector<1x1x128x128xf32>
    %get3A_176 = vector.shape_cast %get3A_175 : vector<1x1x128x128xf32> to vector<128x128xf32>
    %max3A_177 = arith.maximumf %get3A_170, %get3A_176 : vector<128x128xf32>
    %gt3A_178 = arith.constant 5.000000e-01 : f32
    %gt3A_179 = vector.broadcast %gt3A_178 : f32 to vector<128x128xf32>
    %gt3A_180 = arith.cmpf ogt, %max3A_177, %gt3A_179 : vector<128x128xf32>
    %broadcast_in_dim3A_181 = vector.broadcast %sub3A_164 : f32 to vector<128x128xf32>
    %broadcast_in_dim3A_182 = vector.broadcast %get3A_162 : f32 to vector<128x128xf32>
    %select_n3A_183 = arith.select %gt3A_180, %broadcast_in_dim3A_181, %broadcast_in_dim3A_182 : vector<128x128xi1>, vector<128x128xf32>
    %get3A_184 = arith.constant 2 : index
    %get3A_185 = arith.constant 0 : index
    %get3A_186 = arith.constant 0 : index
    %get3A_187 = vector.load %arg20[%get3A_184, %get3A_185, %get3A_186] : memref<8x128x128xf32, #tpu.memory_space<vmem>>, vector<1x128x128xf32>
    %get3A_188 = vector.shape_cast %get3A_187 : vector<1x128x128xf32> to vector<128x128xf32>
    %lt3A_189 = arith.cmpf olt, %get3A_188, %select_n3A_183 : vector<128x128xf32>
    %jit3A_190 = arith.constant 9.990000e-01 : f32
    %jit3A_191 = arith.constant 9.99987125E-4 : f32
    %broadcast_in_dim3A_192 = vector.broadcast %jit3A_190 : f32 to vector<128x128xf32>
    %broadcast_in_dim3A_193 = vector.broadcast %jit3A_191 : f32 to vector<128x128xf32>
    %select_n3A_194 = arith.select %lt3A_189, %broadcast_in_dim3A_192, %broadcast_in_dim3A_193 : vector<128x128xi1>, vector<128x128xf32>
    %broadcast_in_dim3A_195 = vector.broadcast %sub3A_157 : f32 to vector<128x128xf32>
    %broadcast_in_dim3A_196 = vector.broadcast %get3A_155 : f32 to vector<128x128xf32>
    %select_n3A_197 = arith.select %gt3A_180, %broadcast_in_dim3A_195, %broadcast_in_dim3A_196 : vector<128x128xi1>, vector<128x128xf32>
    %mul3A_198 = arith.mulf %select_n3A_194, %select_n3A_197 : vector<128x128xf32>
    %eq3A_199 = arith.xori %gt3A_180, %lt3A_189 : vector<128x128xi1>
    %eq3A_200 = arith.constant dense<true> : vector<128x128xi1>
    %eq3A_201 = arith.xori %eq3A_199, %eq3A_200 : vector<128x128xi1>
    %div3A_202 = arith.constant 1.000000e+00 : f32
    %div3A_203 = arith.divf %div3A_202, %sub3A_164 : f32
    %div3A_204 = arith.constant 1.000000e+00 : f32
    %div3A_205 = arith.divf %div3A_204, %get3A_162 : f32
    %broadcast_in_dim3A_206 = vector.broadcast %div3A_203 : f32 to vector<128x128xf32>
    %broadcast_in_dim3A_207 = vector.broadcast %div3A_205 : f32 to vector<128x128xf32>
    %select_n3A_208 = arith.select %eq3A_201, %broadcast_in_dim3A_206, %broadcast_in_dim3A_207 : vector<128x128xi1>, vector<128x128xf32>
    %mul3A_209 = arith.mulf %mul3A_198, %select_n3A_208 : vector<128x128xf32>
    %max3A_210 = arith.constant 0.000000e+00 : f32
    %max3A_211 = vector.broadcast %max3A_210 : f32 to vector<128x128xf32>
    %max3A_212 = arith.maximumf %mul3A_150, %max3A_211 : vector<128x128xf32>
    %mul3A_213 = arith.mulf %mul3A_150, %mul3A_209 : vector<128x128xf32>
    %sub3A_214 = arith.subf %max3A_212, %mul3A_213 : vector<128x128xf32>
    %abs3A_215 = math.absf %mul3A_150 : vector<128x128xf32>
    %neg3A_216 = arith.constant 0.000000e+00 : f32
    %neg3A_217 = vector.broadcast %neg3A_216 : f32 to vector<128x128xf32>
    %neg3A_218 = arith.subf %neg3A_217, %abs3A_215 : vector<128x128xf32>
    %exp3A_219 = math.exp %neg3A_218 : vector<128x128xf32>
    %log1p3A_220 = math.log1p %exp3A_219 : vector<128x128xf32>
    %add3A_221 = arith.addf %sub3A_214, %log1p3A_220 : vector<128x128xf32>
    %add3A_222 = arith.addf %add3A_144, %add3A_221 : vector<128x128xf32>
    %slice3A_223 = vector.extract_strided_slice %get3A_1 {offsets = [384, 0], sizes = [128, 256], strides = [1, 1]} : vector<1024x256xbf16> to vector<128x256xbf16>
    %dot_general3A_224 = arith.constant dense<0.000000e+00> : vector<128x128xf32>
    %dot_general3A_225 = tpu.matmul %slice3A_223, %slice3A_223, %dot_general3A_224 {dimension_numbers = #tpu.dot_dimension_numbers<[1], [1], [0], [0], [0, 0, 1, 0], [], []>, transpose_lhs_hint = false} : vector<128x256xbf16>, vector<128x256xbf16>, vector<128x128xf32> -> vector<128x128xf32>
    %mul3A_226 = arith.constant 6.250000e-02 : f32
    %mul3A_227 = vector.broadcast %mul3A_226 : f32 to vector<128x128xf32>
    %mul3A_228 = arith.mulf %dot_general3A_225, %mul3A_227 : vector<128x128xf32>
    %get3A_229 = arith.constant 0 : index
    %get3A_230 = arith.constant 0 : index
    %get3A_231 = arith.constant 0 : index
    %get3A_232 = vector.load %arg6[%get3A_229, %get3A_230, %get3A_231] : memref<1x1x128xf32, #tpu.memory_space<vmem>>, vector<1x1x1xf32>
    %get3A_233 = vector.extract %get3A_232[0, 0, 0] : f32 from vector<1x1x1xf32>
    %sub3A_234 = arith.constant 1.000000e+00 : f32
    %sub3A_235 = arith.subf %sub3A_234, %get3A_233 : f32
    %get3A_236 = arith.constant 0 : index
    %get3A_237 = arith.constant 0 : index
    %get3A_238 = arith.constant 0 : index
    %get3A_239 = vector.load %arg14[%get3A_236, %get3A_237, %get3A_238] : memref<1x1x128xf32, #tpu.memory_space<vmem>>, vector<1x1x1xf32>
    %get3A_240 = vector.extract %get3A_239[0, 0, 0] : f32 from vector<1x1x1xf32>
    %sub3A_241 = arith.constant 1.000000e+00 : f32
    %sub3A_242 = arith.subf %sub3A_241, %get3A_240 : f32
    %get3A_243 = arith.constant 0 : index
    %get3A_244 = arith.constant 3 : index
    %get3A_245 = arith.constant 0 : index
    %get3A_246 = arith.constant 0 : index
    %get3A_247 = vector.load %arg19[%get3A_243, %get3A_244, %get3A_245, %get3A_246] : memref<2x8x128x128xf32, #tpu.memory_space<vmem>>, vector<1x1x128x128xf32>
    %get3A_248 = vector.shape_cast %get3A_247 : vector<1x1x128x128xf32> to vector<128x128xf32>
    %get3A_249 = arith.constant 1 : index
    %get3A_250 = arith.constant 3 : index
    %get3A_251 = arith.constant 0 : index
    %get3A_252 = arith.constant 0 : index
    %get3A_253 = vector.load %arg19[%get3A_249, %get3A_250, %get3A_251, %get3A_252] : memref<2x8x128x128xf32, #tpu.memory_space<vmem>>, vector<1x1x128x128xf32>
    %get3A_254 = vector.shape_cast %get3A_253 : vector<1x1x128x128xf32> to vector<128x128xf32>
    %max3A_255 = arith.maximumf %get3A_248, %get3A_254 : vector<128x128xf32>
    %gt3A_256 = arith.constant 5.000000e-01 : f32
    %gt3A_257 = vector.broadcast %gt3A_256 : f32 to vector<128x128xf32>
    %gt3A_258 = arith.cmpf ogt, %max3A_255, %gt3A_257 : vector<128x128xf32>
    %broadcast_in_dim3A_259 = vector.broadcast %sub3A_242 : f32 to vector<128x128xf32>
    %broadcast_in_dim3A_260 = vector.broadcast %get3A_240 : f32 to vector<128x128xf32>
    %select_n3A_261 = arith.select %gt3A_258, %broadcast_in_dim3A_259, %broadcast_in_dim3A_260 : vector<128x128xi1>, vector<128x128xf32>
    %get3A_262 = arith.constant 3 : index
    %get3A_263 = arith.constant 0 : index
    %get3A_264 = arith.constant 0 : index
    %get3A_265 = vector.load %arg20[%get3A_262, %get3A_263, %get3A_264] : memref<8x128x128xf32, #tpu.memory_space<vmem>>, vector<1x128x128xf32>
    %get3A_266 = vector.shape_cast %get3A_265 : vector<1x128x128xf32> to vector<128x128xf32>
    %lt3A_267 = arith.cmpf olt, %get3A_266, %select_n3A_261 : vector<128x128xf32>
    %jit3A_268 = arith.constant 9.990000e-01 : f32
    %jit3A_269 = arith.constant 9.99987125E-4 : f32
    %broadcast_in_dim3A_270 = vector.broadcast %jit3A_268 : f32 to vector<128x128xf32>
    %broadcast_in_dim3A_271 = vector.broadcast %jit3A_269 : f32 to vector<128x128xf32>
    %select_n3A_272 = arith.select %lt3A_267, %broadcast_in_dim3A_270, %broadcast_in_dim3A_271 : vector<128x128xi1>, vector<128x128xf32>
    %broadcast_in_dim3A_273 = vector.broadcast %sub3A_235 : f32 to vector<128x128xf32>
    %broadcast_in_dim3A_274 = vector.broadcast %get3A_233 : f32 to vector<128x128xf32>
    %select_n3A_275 = arith.select %gt3A_258, %broadcast_in_dim3A_273, %broadcast_in_dim3A_274 : vector<128x128xi1>, vector<128x128xf32>
    %mul3A_276 = arith.mulf %select_n3A_272, %select_n3A_275 : vector<128x128xf32>
    %eq3A_277 = arith.xori %gt3A_258, %lt3A_267 : vector<128x128xi1>
    %eq3A_278 = arith.constant dense<true> : vector<128x128xi1>
    %eq3A_279 = arith.xori %eq3A_277, %eq3A_278 : vector<128x128xi1>
    %div3A_280 = arith.constant 1.000000e+00 : f32
    %div3A_281 = arith.divf %div3A_280, %sub3A_242 : f32
    %div3A_282 = arith.constant 1.000000e+00 : f32
    %div3A_283 = arith.divf %div3A_282, %get3A_240 : f32
    %broadcast_in_dim3A_284 = vector.broadcast %div3A_281 : f32 to vector<128x128xf32>
    %broadcast_in_dim3A_285 = vector.broadcast %div3A_283 : f32 to vector<128x128xf32>
    %select_n3A_286 = arith.select %eq3A_279, %broadcast_in_dim3A_284, %broadcast_in_dim3A_285 : vector<128x128xi1>, vector<128x128xf32>
    %mul3A_287 = arith.mulf %mul3A_276, %select_n3A_286 : vector<128x128xf32>
    %max3A_288 = arith.constant 0.000000e+00 : f32
    %max3A_289 = vector.broadcast %max3A_288 : f32 to vector<128x128xf32>
    %max3A_290 = arith.maximumf %mul3A_228, %max3A_289 : vector<128x128xf32>
    %mul3A_291 = arith.mulf %mul3A_228, %mul3A_287 : vector<128x128xf32>
    %sub3A_292 = arith.subf %max3A_290, %mul3A_291 : vector<128x128xf32>
    %abs3A_293 = math.absf %mul3A_228 : vector<128x128xf32>
    %neg3A_294 = arith.constant 0.000000e+00 : f32
    %neg3A_295 = vector.broadcast %neg3A_294 : f32 to vector<128x128xf32>
    %neg3A_296 = arith.subf %neg3A_295, %abs3A_293 : vector<128x128xf32>
    %exp3A_297 = math.exp %neg3A_296 : vector<128x128xf32>
    %log1p3A_298 = math.log1p %exp3A_297 : vector<128x128xf32>
    %add3A_299 = arith.addf %sub3A_292, %log1p3A_298 : vector<128x128xf32>
    %add3A_300 = arith.addf %add3A_222, %add3A_299 : vector<128x128xf32>
    %slice3A_301 = vector.extract_strided_slice %get3A_1 {offsets = [512, 0], sizes = [128, 256], strides = [1, 1]} : vector<1024x256xbf16> to vector<128x256xbf16>
    %dot_general3A_302 = arith.constant dense<0.000000e+00> : vector<128x128xf32>
    %dot_general3A_303 = tpu.matmul %slice3A_301, %slice3A_301, %dot_general3A_302 {dimension_numbers = #tpu.dot_dimension_numbers<[1], [1], [0], [0], [0, 0, 1, 0], [], []>, transpose_lhs_hint = false} : vector<128x256xbf16>, vector<128x256xbf16>, vector<128x128xf32> -> vector<128x128xf32>
    %mul3A_304 = arith.constant 6.250000e-02 : f32
    %mul3A_305 = vector.broadcast %mul3A_304 : f32 to vector<128x128xf32>
    %mul3A_306 = arith.mulf %dot_general3A_303, %mul3A_305 : vector<128x128xf32>
    %get3A_307 = arith.constant 0 : index
    %get3A_308 = arith.constant 0 : index
    %get3A_309 = arith.constant 0 : index
    %get3A_310 = vector.load %arg7[%get3A_307, %get3A_308, %get3A_309] : memref<1x1x128xf32, #tpu.memory_space<vmem>>, vector<1x1x1xf32>
    %get3A_311 = vector.extract %get3A_310[0, 0, 0] : f32 from vector<1x1x1xf32>
    %sub3A_312 = arith.constant 1.000000e+00 : f32
    %sub3A_313 = arith.subf %sub3A_312, %get3A_311 : f32
    %get3A_314 = arith.constant 0 : index
    %get3A_315 = arith.constant 0 : index
    %get3A_316 = arith.constant 0 : index
    %get3A_317 = vector.load %arg15[%get3A_314, %get3A_315, %get3A_316] : memref<1x1x128xf32, #tpu.memory_space<vmem>>, vector<1x1x1xf32>
    %get3A_318 = vector.extract %get3A_317[0, 0, 0] : f32 from vector<1x1x1xf32>
    %sub3A_319 = arith.constant 1.000000e+00 : f32
    %sub3A_320 = arith.subf %sub3A_319, %get3A_318 : f32
    %get3A_321 = arith.constant 0 : index
    %get3A_322 = arith.constant 4 : index
    %get3A_323 = arith.constant 0 : index
    %get3A_324 = arith.constant 0 : index
    %get3A_325 = vector.load %arg19[%get3A_321, %get3A_322, %get3A_323, %get3A_324] : memref<2x8x128x128xf32, #tpu.memory_space<vmem>>, vector<1x1x128x128xf32>
    %get3A_326 = vector.shape_cast %get3A_325 : vector<1x1x128x128xf32> to vector<128x128xf32>
    %get3A_327 = arith.constant 1 : index
    %get3A_328 = arith.constant 4 : index
    %get3A_329 = arith.constant 0 : index
    %get3A_330 = arith.constant 0 : index
    %get3A_331 = vector.load %arg19[%get3A_327, %get3A_328, %get3A_329, %get3A_330] : memref<2x8x128x128xf32, #tpu.memory_space<vmem>>, vector<1x1x128x128xf32>
    %get3A_332 = vector.shape_cast %get3A_331 : vector<1x1x128x128xf32> to vector<128x128xf32>
    %max3A_333 = arith.maximumf %get3A_326, %get3A_332 : vector<128x128xf32>
    %gt3A_334 = arith.constant 5.000000e-01 : f32
    %gt3A_335 = vector.broadcast %gt3A_334 : f32 to vector<128x128xf32>
    %gt3A_336 = arith.cmpf ogt, %max3A_333, %gt3A_335 : vector<128x128xf32>
    %broadcast_in_dim3A_337 = vector.broadcast %sub3A_320 : f32 to vector<128x128xf32>
    %broadcast_in_dim3A_338 = vector.broadcast %get3A_318 : f32 to vector<128x128xf32>
    %select_n3A_339 = arith.select %gt3A_336, %broadcast_in_dim3A_337, %broadcast_in_dim3A_338 : vector<128x128xi1>, vector<128x128xf32>
    %get3A_340 = arith.constant 4 : index
    %get3A_341 = arith.constant 0 : index
    %get3A_342 = arith.constant 0 : index
    %get3A_343 = vector.load %arg20[%get3A_340, %get3A_341, %get3A_342] : memref<8x128x128xf32, #tpu.memory_space<vmem>>, vector<1x128x128xf32>
    %get3A_344 = vector.shape_cast %get3A_343 : vector<1x128x128xf32> to vector<128x128xf32>
    %lt3A_345 = arith.cmpf olt, %get3A_344, %select_n3A_339 : vector<128x128xf32>
    %jit3A_346 = arith.constant 9.990000e-01 : f32
    %jit3A_347 = arith.constant 9.99987125E-4 : f32
    %broadcast_in_dim3A_348 = vector.broadcast %jit3A_346 : f32 to vector<128x128xf32>
    %broadcast_in_dim3A_349 = vector.broadcast %jit3A_347 : f32 to vector<128x128xf32>
    %select_n3A_350 = arith.select %lt3A_345, %broadcast_in_dim3A_348, %broadcast_in_dim3A_349 : vector<128x128xi1>, vector<128x128xf32>
    %broadcast_in_dim3A_351 = vector.broadcast %sub3A_313 : f32 to vector<128x128xf32>
    %broadcast_in_dim3A_352 = vector.broadcast %get3A_311 : f32 to vector<128x128xf32>
    %select_n3A_353 = arith.select %gt3A_336, %broadcast_in_dim3A_351, %broadcast_in_dim3A_352 : vector<128x128xi1>, vector<128x128xf32>
    %mul3A_354 = arith.mulf %select_n3A_350, %select_n3A_353 : vector<128x128xf32>
    %eq3A_355 = arith.xori %gt3A_336, %lt3A_345 : vector<128x128xi1>
    %eq3A_356 = arith.constant dense<true> : vector<128x128xi1>
    %eq3A_357 = arith.xori %eq3A_355, %eq3A_356 : vector<128x128xi1>
    %div3A_358 = arith.constant 1.000000e+00 : f32
    %div3A_359 = arith.divf %div3A_358, %sub3A_320 : f32
    %div3A_360 = arith.constant 1.000000e+00 : f32
    %div3A_361 = arith.divf %div3A_360, %get3A_318 : f32
    %broadcast_in_dim3A_362 = vector.broadcast %div3A_359 : f32 to vector<128x128xf32>
    %broadcast_in_dim3A_363 = vector.broadcast %div3A_361 : f32 to vector<128x128xf32>
    %select_n3A_364 = arith.select %eq3A_357, %broadcast_in_dim3A_362, %broadcast_in_dim3A_363 : vector<128x128xi1>, vector<128x128xf32>
    %mul3A_365 = arith.mulf %mul3A_354, %select_n3A_364 : vector<128x128xf32>
    %max3A_366 = arith.constant 0.000000e+00 : f32
    %max3A_367 = vector.broadcast %max3A_366 : f32 to vector<128x128xf32>
    %max3A_368 = arith.maximumf %mul3A_306, %max3A_367 : vector<128x128xf32>
    %mul3A_369 = arith.mulf %mul3A_306, %mul3A_365 : vector<128x128xf32>
    %sub3A_370 = arith.subf %max3A_368, %mul3A_369 : vector<128x128xf32>
    %abs3A_371 = math.absf %mul3A_306 : vector<128x128xf32>
    %neg3A_372 = arith.constant 0.000000e+00 : f32
    %neg3A_373 = vector.broadcast %neg3A_372 : f32 to vector<128x128xf32>
    %neg3A_374 = arith.subf %neg3A_373, %abs3A_371 : vector<128x128xf32>
    %exp3A_375 = math.exp %neg3A_374 : vector<128x128xf32>
    %log1p3A_376 = math.log1p %exp3A_375 : vector<128x128xf32>
    %add3A_377 = arith.addf %sub3A_370, %log1p3A_376 : vector<128x128xf32>
    %add3A_378 = arith.addf %add3A_300, %add3A_377 : vector<128x128xf32>
    %slice3A_379 = vector.extract_strided_slice %get3A_1 {offsets = [640, 0], sizes = [128, 256], strides = [1, 1]} : vector<1024x256xbf16> to vector<128x256xbf16>
    %dot_general3A_380 = arith.constant dense<0.000000e+00> : vector<128x128xf32>
    %dot_general3A_381 = tpu.matmul %slice3A_379, %slice3A_379, %dot_general3A_380 {dimension_numbers = #tpu.dot_dimension_numbers<[1], [1], [0], [0], [0, 0, 1, 0], [], []>, transpose_lhs_hint = false} : vector<128x256xbf16>, vector<128x256xbf16>, vector<128x128xf32> -> vector<128x128xf32>
    %mul3A_382 = arith.constant 6.250000e-02 : f32
    %mul3A_383 = vector.broadcast %mul3A_382 : f32 to vector<128x128xf32>
    %mul3A_384 = arith.mulf %dot_general3A_381, %mul3A_383 : vector<128x128xf32>
    %get3A_385 = arith.constant 0 : index
    %get3A_386 = arith.constant 0 : index
    %get3A_387 = arith.constant 0 : index
    %get3A_388 = vector.load %arg8[%get3A_385, %get3A_386, %get3A_387] : memref<1x1x128xf32, #tpu.memory_space<vmem>>, vector<1x1x1xf32>
    %get3A_389 = vector.extract %get3A_388[0, 0, 0] : f32 from vector<1x1x1xf32>
    %sub3A_390 = arith.constant 1.000000e+00 : f32
    %sub3A_391 = arith.subf %sub3A_390, %get3A_389 : f32
    %get3A_392 = arith.constant 0 : index
    %get3A_393 = arith.constant 0 : index
    %get3A_394 = arith.constant 0 : index
    %get3A_395 = vector.load %arg16[%get3A_392, %get3A_393, %get3A_394] : memref<1x1x128xf32, #tpu.memory_space<vmem>>, vector<1x1x1xf32>
    %get3A_396 = vector.extract %get3A_395[0, 0, 0] : f32 from vector<1x1x1xf32>
    %sub3A_397 = arith.constant 1.000000e+00 : f32
    %sub3A_398 = arith.subf %sub3A_397, %get3A_396 : f32
    %get3A_399 = arith.constant 0 : index
    %get3A_400 = arith.constant 5 : index
    %get3A_401 = arith.constant 0 : index
    %get3A_402 = arith.constant 0 : index
    %get3A_403 = vector.load %arg19[%get3A_399, %get3A_400, %get3A_401, %get3A_402] : memref<2x8x128x128xf32, #tpu.memory_space<vmem>>, vector<1x1x128x128xf32>
    %get3A_404 = vector.shape_cast %get3A_403 : vector<1x1x128x128xf32> to vector<128x128xf32>
    %get3A_405 = arith.constant 1 : index
    %get3A_406 = arith.constant 5 : index
    %get3A_407 = arith.constant 0 : index
    %get3A_408 = arith.constant 0 : index
    %get3A_409 = vector.load %arg19[%get3A_405, %get3A_406, %get3A_407, %get3A_408] : memref<2x8x128x128xf32, #tpu.memory_space<vmem>>, vector<1x1x128x128xf32>
    %get3A_410 = vector.shape_cast %get3A_409 : vector<1x1x128x128xf32> to vector<128x128xf32>
    %max3A_411 = arith.maximumf %get3A_404, %get3A_410 : vector<128x128xf32>
    %gt3A_412 = arith.constant 5.000000e-01 : f32
    %gt3A_413 = vector.broadcast %gt3A_412 : f32 to vector<128x128xf32>
    %gt3A_414 = arith.cmpf ogt, %max3A_411, %gt3A_413 : vector<128x128xf32>
    %broadcast_in_dim3A_415 = vector.broadcast %sub3A_398 : f32 to vector<128x128xf32>
    %broadcast_in_dim3A_416 = vector.broadcast %get3A_396 : f32 to vector<128x128xf32>
    %select_n3A_417 = arith.select %gt3A_414, %broadcast_in_dim3A_415, %broadcast_in_dim3A_416 : vector<128x128xi1>, vector<128x128xf32>
    %get3A_418 = arith.constant 5 : index
    %get3A_419 = arith.constant 0 : index
    %get3A_420 = arith.constant 0 : index
    %get3A_421 = vector.load %arg20[%get3A_418, %get3A_419, %get3A_420] : memref<8x128x128xf32, #tpu.memory_space<vmem>>, vector<1x128x128xf32>
    %get3A_422 = vector.shape_cast %get3A_421 : vector<1x128x128xf32> to vector<128x128xf32>
    %lt3A_423 = arith.cmpf olt, %get3A_422, %select_n3A_417 : vector<128x128xf32>
    %jit3A_424 = arith.constant 9.990000e-01 : f32
    %jit3A_425 = arith.constant 9.99987125E-4 : f32
    %broadcast_in_dim3A_426 = vector.broadcast %jit3A_424 : f32 to vector<128x128xf32>
    %broadcast_in_dim3A_427 = vector.broadcast %jit3A_425 : f32 to vector<128x128xf32>
    %select_n3A_428 = arith.select %lt3A_423, %broadcast_in_dim3A_426, %broadcast_in_dim3A_427 : vector<128x128xi1>, vector<128x128xf32>
    %broadcast_in_dim3A_429 = vector.broadcast %sub3A_391 : f32 to vector<128x128xf32>
    %broadcast_in_dim3A_430 = vector.broadcast %get3A_389 : f32 to vector<128x128xf32>
    %select_n3A_431 = arith.select %gt3A_414, %broadcast_in_dim3A_429, %broadcast_in_dim3A_430 : vector<128x128xi1>, vector<128x128xf32>
    %mul3A_432 = arith.mulf %select_n3A_428, %select_n3A_431 : vector<128x128xf32>
    %eq3A_433 = arith.xori %gt3A_414, %lt3A_423 : vector<128x128xi1>
    %eq3A_434 = arith.constant dense<true> : vector<128x128xi1>
    %eq3A_435 = arith.xori %eq3A_433, %eq3A_434 : vector<128x128xi1>
    %div3A_436 = arith.constant 1.000000e+00 : f32
    %div3A_437 = arith.divf %div3A_436, %sub3A_398 : f32
    %div3A_438 = arith.constant 1.000000e+00 : f32
    %div3A_439 = arith.divf %div3A_438, %get3A_396 : f32
    %broadcast_in_dim3A_440 = vector.broadcast %div3A_437 : f32 to vector<128x128xf32>
    %broadcast_in_dim3A_441 = vector.broadcast %div3A_439 : f32 to vector<128x128xf32>
    %select_n3A_442 = arith.select %eq3A_435, %broadcast_in_dim3A_440, %broadcast_in_dim3A_441 : vector<128x128xi1>, vector<128x128xf32>
    %mul3A_443 = arith.mulf %mul3A_432, %select_n3A_442 : vector<128x128xf32>
    %max3A_444 = arith.constant 0.000000e+00 : f32
    %max3A_445 = vector.broadcast %max3A_444 : f32 to vector<128x128xf32>
    %max3A_446 = arith.maximumf %mul3A_384, %max3A_445 : vector<128x128xf32>
    %mul3A_447 = arith.mulf %mul3A_384, %mul3A_443 : vector<128x128xf32>
    %sub3A_448 = arith.subf %max3A_446, %mul3A_447 : vector<128x128xf32>
    %abs3A_449 = math.absf %mul3A_384 : vector<128x128xf32>
    %neg3A_450 = arith.constant 0.000000e+00 : f32
    %neg3A_451 = vector.broadcast %neg3A_450 : f32 to vector<128x128xf32>
    %neg3A_452 = arith.subf %neg3A_451, %abs3A_449 : vector<128x128xf32>
    %exp3A_453 = math.exp %neg3A_452 : vector<128x128xf32>
    %log1p3A_454 = math.log1p %exp3A_453 : vector<128x128xf32>
    %add3A_455 = arith.addf %sub3A_448, %log1p3A_454 : vector<128x128xf32>
    %add3A_456 = arith.addf %add3A_378, %add3A_455 : vector<128x128xf32>
    %slice3A_457 = vector.extract_strided_slice %get3A_1 {offsets = [768, 0], sizes = [128, 256], strides = [1, 1]} : vector<1024x256xbf16> to vector<128x256xbf16>
    %dot_general3A_458 = arith.constant dense<0.000000e+00> : vector<128x128xf32>
    %dot_general3A_459 = tpu.matmul %slice3A_457, %slice3A_457, %dot_general3A_458 {dimension_numbers = #tpu.dot_dimension_numbers<[1], [1], [0], [0], [0, 0, 1, 0], [], []>, transpose_lhs_hint = false} : vector<128x256xbf16>, vector<128x256xbf16>, vector<128x128xf32> -> vector<128x128xf32>
    %mul3A_460 = arith.constant 6.250000e-02 : f32
    %mul3A_461 = vector.broadcast %mul3A_460 : f32 to vector<128x128xf32>
    %mul3A_462 = arith.mulf %dot_general3A_459, %mul3A_461 : vector<128x128xf32>
    %get3A_463 = arith.constant 0 : index
    %get3A_464 = arith.constant 0 : index
    %get3A_465 = arith.constant 0 : index
    %get3A_466 = vector.load %arg9[%get3A_463, %get3A_464, %get3A_465] : memref<1x1x128xf32, #tpu.memory_space<vmem>>, vector<1x1x1xf32>
    %get3A_467 = vector.extract %get3A_466[0, 0, 0] : f32 from vector<1x1x1xf32>
    %sub3A_468 = arith.constant 1.000000e+00 : f32
    %sub3A_469 = arith.subf %sub3A_468, %get3A_467 : f32
    %get3A_470 = arith.constant 0 : index
    %get3A_471 = arith.constant 0 : index
    %get3A_472 = arith.constant 0 : index
    %get3A_473 = vector.load %arg17[%get3A_470, %get3A_471, %get3A_472] : memref<1x1x128xf32, #tpu.memory_space<vmem>>, vector<1x1x1xf32>
    %get3A_474 = vector.extract %get3A_473[0, 0, 0] : f32 from vector<1x1x1xf32>
    %sub3A_475 = arith.constant 1.000000e+00 : f32
    %sub3A_476 = arith.subf %sub3A_475, %get3A_474 : f32
    %get3A_477 = arith.constant 0 : index
    %get3A_478 = arith.constant 6 : index
    %get3A_479 = arith.constant 0 : index
    %get3A_480 = arith.constant 0 : index
    %get3A_481 = vector.load %arg19[%get3A_477, %get3A_478, %get3A_479, %get3A_480] : memref<2x8x128x128xf32, #tpu.memory_space<vmem>>, vector<1x1x128x128xf32>
    %get3A_482 = vector.shape_cast %get3A_481 : vector<1x1x128x128xf32> to vector<128x128xf32>
    %get3A_483 = arith.constant 1 : index
    %get3A_484 = arith.constant 6 : index
    %get3A_485 = arith.constant 0 : index
    %get3A_486 = arith.constant 0 : index
    %get3A_487 = vector.load %arg19[%get3A_483, %get3A_484, %get3A_485, %get3A_486] : memref<2x8x128x128xf32, #tpu.memory_space<vmem>>, vector<1x1x128x128xf32>
    %get3A_488 = vector.shape_cast %get3A_487 : vector<1x1x128x128xf32> to vector<128x128xf32>
    %max3A_489 = arith.maximumf %get3A_482, %get3A_488 : vector<128x128xf32>
    %gt3A_490 = arith.constant 5.000000e-01 : f32
    %gt3A_491 = vector.broadcast %gt3A_490 : f32 to vector<128x128xf32>
    %gt3A_492 = arith.cmpf ogt, %max3A_489, %gt3A_491 : vector<128x128xf32>
    %broadcast_in_dim3A_493 = vector.broadcast %sub3A_476 : f32 to vector<128x128xf32>
    %broadcast_in_dim3A_494 = vector.broadcast %get3A_474 : f32 to vector<128x128xf32>
    %select_n3A_495 = arith.select %gt3A_492, %broadcast_in_dim3A_493, %broadcast_in_dim3A_494 : vector<128x128xi1>, vector<128x128xf32>
    %get3A_496 = arith.constant 6 : index
    %get3A_497 = arith.constant 0 : index
    %get3A_498 = arith.constant 0 : index
    %get3A_499 = vector.load %arg20[%get3A_496, %get3A_497, %get3A_498] : memref<8x128x128xf32, #tpu.memory_space<vmem>>, vector<1x128x128xf32>
    %get3A_500 = vector.shape_cast %get3A_499 : vector<1x128x128xf32> to vector<128x128xf32>
    %lt3A_501 = arith.cmpf olt, %get3A_500, %select_n3A_495 : vector<128x128xf32>
    %jit3A_502 = arith.constant 9.990000e-01 : f32
    %jit3A_503 = arith.constant 9.99987125E-4 : f32
    %broadcast_in_dim3A_504 = vector.broadcast %jit3A_502 : f32 to vector<128x128xf32>
    %broadcast_in_dim3A_505 = vector.broadcast %jit3A_503 : f32 to vector<128x128xf32>
    %select_n3A_506 = arith.select %lt3A_501, %broadcast_in_dim3A_504, %broadcast_in_dim3A_505 : vector<128x128xi1>, vector<128x128xf32>
    %broadcast_in_dim3A_507 = vector.broadcast %sub3A_469 : f32 to vector<128x128xf32>
    %broadcast_in_dim3A_508 = vector.broadcast %get3A_467 : f32 to vector<128x128xf32>
    %select_n3A_509 = arith.select %gt3A_492, %broadcast_in_dim3A_507, %broadcast_in_dim3A_508 : vector<128x128xi1>, vector<128x128xf32>
    %mul3A_510 = arith.mulf %select_n3A_506, %select_n3A_509 : vector<128x128xf32>
    %eq3A_511 = arith.xori %gt3A_492, %lt3A_501 : vector<128x128xi1>
    %eq3A_512 = arith.constant dense<true> : vector<128x128xi1>
    %eq3A_513 = arith.xori %eq3A_511, %eq3A_512 : vector<128x128xi1>
    %div3A_514 = arith.constant 1.000000e+00 : f32
    %div3A_515 = arith.divf %div3A_514, %sub3A_476 : f32
    %div3A_516 = arith.constant 1.000000e+00 : f32
    %div3A_517 = arith.divf %div3A_516, %get3A_474 : f32
    %broadcast_in_dim3A_518 = vector.broadcast %div3A_515 : f32 to vector<128x128xf32>
    %broadcast_in_dim3A_519 = vector.broadcast %div3A_517 : f32 to vector<128x128xf32>
    %select_n3A_520 = arith.select %eq3A_513, %broadcast_in_dim3A_518, %broadcast_in_dim3A_519 : vector<128x128xi1>, vector<128x128xf32>
    %mul3A_521 = arith.mulf %mul3A_510, %select_n3A_520 : vector<128x128xf32>
    %max3A_522 = arith.constant 0.000000e+00 : f32
    %max3A_523 = vector.broadcast %max3A_522 : f32 to vector<128x128xf32>
    %max3A_524 = arith.maximumf %mul3A_462, %max3A_523 : vector<128x128xf32>
    %mul3A_525 = arith.mulf %mul3A_462, %mul3A_521 : vector<128x128xf32>
    %sub3A_526 = arith.subf %max3A_524, %mul3A_525 : vector<128x128xf32>
    %abs3A_527 = math.absf %mul3A_462 : vector<128x128xf32>
    %neg3A_528 = arith.constant 0.000000e+00 : f32
    %neg3A_529 = vector.broadcast %neg3A_528 : f32 to vector<128x128xf32>
    %neg3A_530 = arith.subf %neg3A_529, %abs3A_527 : vector<128x128xf32>
    %exp3A_531 = math.exp %neg3A_530 : vector<128x128xf32>
    %log1p3A_532 = math.log1p %exp3A_531 : vector<128x128xf32>
    %add3A_533 = arith.addf %sub3A_526, %log1p3A_532 : vector<128x128xf32>
    %add3A_534 = arith.addf %add3A_456, %add3A_533 : vector<128x128xf32>
    %slice3A_535 = vector.extract_strided_slice %get3A_1 {offsets = [896, 0], sizes = [128, 256], strides = [1, 1]} : vector<1024x256xbf16> to vector<128x256xbf16>
    %dot_general3A_536 = arith.constant dense<0.000000e+00> : vector<128x128xf32>
    %dot_general3A_537 = tpu.matmul %slice3A_535, %slice3A_535, %dot_general3A_536 {dimension_numbers = #tpu.dot_dimension_numbers<[1], [1], [0], [0], [0, 0, 1, 0], [], []>, transpose_lhs_hint = false} : vector<128x256xbf16>, vector<128x256xbf16>, vector<128x128xf32> -> vector<128x128xf32>
    %mul3A_538 = arith.constant 6.250000e-02 : f32
    %mul3A_539 = vector.broadcast %mul3A_538 : f32 to vector<128x128xf32>
    %mul3A_540 = arith.mulf %dot_general3A_537, %mul3A_539 : vector<128x128xf32>
    %get3A_541 = arith.constant 0 : index
    %get3A_542 = arith.constant 0 : index
    %get3A_543 = arith.constant 0 : index
    %get3A_544 = vector.load %arg10[%get3A_541, %get3A_542, %get3A_543] : memref<1x1x128xf32, #tpu.memory_space<vmem>>, vector<1x1x1xf32>
    %get3A_545 = vector.extract %get3A_544[0, 0, 0] : f32 from vector<1x1x1xf32>
    %sub3A_546 = arith.constant 1.000000e+00 : f32
    %sub3A_547 = arith.subf %sub3A_546, %get3A_545 : f32
    %get3A_548 = arith.constant 0 : index
    %get3A_549 = arith.constant 0 : index
    %get3A_550 = arith.constant 0 : index
    %get3A_551 = vector.load %arg18[%get3A_548, %get3A_549, %get3A_550] : memref<1x1x128xf32, #tpu.memory_space<vmem>>, vector<1x1x1xf32>
    %get3A_552 = vector.extract %get3A_551[0, 0, 0] : f32 from vector<1x1x1xf32>
    %sub3A_553 = arith.constant 1.000000e+00 : f32
    %sub3A_554 = arith.subf %sub3A_553, %get3A_552 : f32
    %get3A_555 = arith.constant 0 : index
    %get3A_556 = arith.constant 7 : index
    %get3A_557 = arith.constant 0 : index
    %get3A_558 = arith.constant 0 : index
    %get3A_559 = vector.load %arg19[%get3A_555, %get3A_556, %get3A_557, %get3A_558] : memref<2x8x128x128xf32, #tpu.memory_space<vmem>>, vector<1x1x128x128xf32>
    %get3A_560 = vector.shape_cast %get3A_559 : vector<1x1x128x128xf32> to vector<128x128xf32>
    %get3A_561 = arith.constant 1 : index
    %get3A_562 = arith.constant 7 : index
    %get3A_563 = arith.constant 0 : index
    %get3A_564 = arith.constant 0 : index
    %get3A_565 = vector.load %arg19[%get3A_561, %get3A_562, %get3A_563, %get3A_564] : memref<2x8x128x128xf32, #tpu.memory_space<vmem>>, vector<1x1x128x128xf32>
    %get3A_566 = vector.shape_cast %get3A_565 : vector<1x1x128x128xf32> to vector<128x128xf32>
    %max3A_567 = arith.maximumf %get3A_560, %get3A_566 : vector<128x128xf32>
    %gt3A_568 = arith.constant 5.000000e-01 : f32
    %gt3A_569 = vector.broadcast %gt3A_568 : f32 to vector<128x128xf32>
    %gt3A_570 = arith.cmpf ogt, %max3A_567, %gt3A_569 : vector<128x128xf32>
    %broadcast_in_dim3A_571 = vector.broadcast %sub3A_554 : f32 to vector<128x128xf32>
    %broadcast_in_dim3A_572 = vector.broadcast %get3A_552 : f32 to vector<128x128xf32>
    %select_n3A_573 = arith.select %gt3A_570, %broadcast_in_dim3A_571, %broadcast_in_dim3A_572 : vector<128x128xi1>, vector<128x128xf32>
    %get3A_574 = arith.constant 7 : index
    %get3A_575 = arith.constant 0 : index
    %get3A_576 = arith.constant 0 : index
    %get3A_577 = vector.load %arg20[%get3A_574, %get3A_575, %get3A_576] : memref<8x128x128xf32, #tpu.memory_space<vmem>>, vector<1x128x128xf32>
    %get3A_578 = vector.shape_cast %get3A_577 : vector<1x128x128xf32> to vector<128x128xf32>
    %lt3A_579 = arith.cmpf olt, %get3A_578, %select_n3A_573 : vector<128x128xf32>
    %jit3A_580 = arith.constant 9.990000e-01 : f32
    %jit3A_581 = arith.constant 9.99987125E-4 : f32
    %broadcast_in_dim3A_582 = vector.broadcast %jit3A_580 : f32 to vector<128x128xf32>
    %broadcast_in_dim3A_583 = vector.broadcast %jit3A_581 : f32 to vector<128x128xf32>
    %select_n3A_584 = arith.select %lt3A_579, %broadcast_in_dim3A_582, %broadcast_in_dim3A_583 : vector<128x128xi1>, vector<128x128xf32>
    %broadcast_in_dim3A_585 = vector.broadcast %sub3A_547 : f32 to vector<128x128xf32>
    %broadcast_in_dim3A_586 = vector.broadcast %get3A_545 : f32 to vector<128x128xf32>
    %select_n3A_587 = arith.select %gt3A_570, %broadcast_in_dim3A_585, %broadcast_in_dim3A_586 : vector<128x128xi1>, vector<128x128xf32>
    %mul3A_588 = arith.mulf %select_n3A_584, %select_n3A_587 : vector<128x128xf32>
    %eq3A_589 = arith.xori %gt3A_570, %lt3A_579 : vector<128x128xi1>
    %eq3A_590 = arith.constant dense<true> : vector<128x128xi1>
    %eq3A_591 = arith.xori %eq3A_589, %eq3A_590 : vector<128x128xi1>
    %div3A_592 = arith.constant 1.000000e+00 : f32
    %div3A_593 = arith.divf %div3A_592, %sub3A_554 : f32
    %div3A_594 = arith.constant 1.000000e+00 : f32
    %div3A_595 = arith.divf %div3A_594, %get3A_552 : f32
    %broadcast_in_dim3A_596 = vector.broadcast %div3A_593 : f32 to vector<128x128xf32>
    %broadcast_in_dim3A_597 = vector.broadcast %div3A_595 : f32 to vector<128x128xf32>
    %select_n3A_598 = arith.select %eq3A_591, %broadcast_in_dim3A_596, %broadcast_in_dim3A_597 : vector<128x128xi1>, vector<128x128xf32>
    %mul3A_599 = arith.mulf %mul3A_588, %select_n3A_598 : vector<128x128xf32>
    %max3A_600 = arith.constant 0.000000e+00 : f32
    %max3A_601 = vector.broadcast %max3A_600 : f32 to vector<128x128xf32>
    %max3A_602 = arith.maximumf %mul3A_540, %max3A_601 : vector<128x128xf32>
    %mul3A_603 = arith.mulf %mul3A_540, %mul3A_599 : vector<128x128xf32>
    %sub3A_604 = arith.subf %max3A_602, %mul3A_603 : vector<128x128xf32>
    %abs3A_605 = math.absf %mul3A_540 : vector<128x128xf32>
    %neg3A_606 = arith.constant 0.000000e+00 : f32
    %neg3A_607 = vector.broadcast %neg3A_606 : f32 to vector<128x128xf32>
    %neg3A_608 = arith.subf %neg3A_607, %abs3A_605 : vector<128x128xf32>
    %exp3A_609 = math.exp %neg3A_608 : vector<128x128xf32>
    %log1p3A_610 = math.log1p %exp3A_609 : vector<128x128xf32>
    %add3A_611 = arith.addf %sub3A_604, %log1p3A_610 : vector<128x128xf32>
    %add3A_612 = arith.addf %add3A_534, %add3A_611 : vector<128x128xf32>
    %jit3A_613 = arith.constant 0.000000e+00 : f32
    %broadcast_in_dim3A_614 = vector.broadcast %jit3A_613 : f32 to vector<128x128xf32>
    %select_n3A_615 = arith.select %gt3A, %add3A_612, %broadcast_in_dim3A_614 : vector<128x128xi1>, vector<128x128xf32>
    %reduce_sum3A = vector.shape_cast %select_n3A_615 : vector<128x128xf32> to vector<1x128x128xf32>
    %reduce_sum3A_616 = arith.constant dense<0.000000e+00> : vector<1xf32>
    %reduce_sum3A_617 = vector.multi_reduction <add>, %reduce_sum3A, %reduce_sum3A_616 [1, 2] : vector<1x128x128xf32> to vector<1xf32>
    %reduce_sum3A_618 = vector.shape_cast %reduce_sum3A_617 : vector<1xf32> to vector<1x1x1xf32>
    %reduce_sum3A_619 = vector.extract %reduce_sum3A_618[0, 0, 0] : f32 from vector<1x1x1xf32>
    %reshape3A = vector.broadcast %reduce_sum3A_619 : f32 to vector<1x1xf32>
    %eq3A_620 = arith.constant 0 : i32
    %eq3A_621 = arith.cmpi eq, %arg0, %eq3A_620 : i32
    %convert_element_type3A = arith.extui %eq3A_621 : i1 to i32
    %cond3A = arith.constant 0 : i32
    %cond3A_622 = arith.cmpi ne, %convert_element_type3A, %cond3A : i32
    scf.if %cond3A_622 {
      %broadcast_in_dim3A_634 = arith.constant 0.000000e+00 : f32
      %broadcast_in_dim3A_635 = vector.broadcast %broadcast_in_dim3A_634 : f32 to vector<1x1xf32>
      %swap3A_636 = arith.constant 0 : index
      %swap3A_637 = arith.constant 0 : index
      %swap3A_638 = vector.load %arg21[%swap3A_636, %swap3A_637] : memref<1x1xf32, #tpu.memory_space<vmem>>, vector<1x1xf32>
      tpu.vector_store %arg21[%swap3A_636, %swap3A_637], %broadcast_in_dim3A_635 {strides = array<i32>} : memref<1x1xf32, #tpu.memory_space<vmem>>, vector<1x1xf32>,
    } else {
    }
    %get3A_623 = arith.constant 0 : index
    %get3A_624 = arith.constant 0 : index
    %get3A_625 = vector.load %arg21[%get3A_623, %get3A_624] : memref<1x1xf32, #tpu.memory_space<vmem>>, vector<1x1xf32>
    %add3A_626 = arith.addf %get3A_625, %reshape3A : vector<1x1xf32>
    %swap3A = arith.constant 0 : index
    %swap3A_627 = arith.constant 0 : index
    %swap3A_628 = vector.load %arg21[%swap3A, %swap3A_627] : memref<1x1xf32, #tpu.memory_space<vmem>>, vector<1x1xf32>
    tpu.vector_store %arg21[%swap3A, %swap3A_627], %add3A_626 {strides = array<i32>} : memref<1x1xf32, #tpu.memory_space<vmem>>, vector<1x1xf32>,
    %eq3A_629 = arith.constant 1 : i32
    %eq3A_630 = arith.cmpi eq, %arg0, %eq3A_629 : i32
    %convert_element_type3A_631 = arith.extui %eq3A_630 : i1 to i32
    %cond3A_632 = arith.constant 0 : i32
    %cond3A_633 = arith.cmpi ne, %convert_element_type3A_631, %cond3A_632 : i32
    scf.if %cond3A_633 {
      %get3A_634 = arith.constant 0 : index
      %get3A_635 = arith.constant 0 : index
      %get3A_636 = vector.load %arg21[%get3A_634, %get3A_635] : memref<1x1xf32, #tpu.memory_space<vmem>>, vector<1x1xf32>
      %mul3A_637 = arith.constant 7.68946847E-6 : f32
      %mul3A_638 = vector.broadcast %mul3A_637 : f32 to vector<1x1xf32>
      %mul3A_639 = arith.mulf %get3A_636, %mul3A_638 : vector<1x1xf32>
      %swap3A_640 = arith.constant 0 : index
      %swap3A_641 = arith.constant 0 : index
      %swap3A_642 = vector.load %arg21[%swap3A_640, %swap3A_641] : memref<1x1xf32, #tpu.memory_space<vmem>>, vector<1x1xf32>
      tpu.vector_store %arg21[%swap3A_640, %swap3A_641], %mul3A_639 {strides = array<i32>} : memref<1x1xf32, #tpu.memory_space<vmem>>, vector<1x1xf32>,
    } else {
    }
    return
  }
  func.func @transform_0(%arg0: i32, %arg1: memref<16xi32, #tpu.memory_space<smem>>) -> (i32, i32) {
    %c0_i32 = arith.constant 0 : i32
    %c0_i32_0 = arith.constant 0 : i32
    return %arg0, %c0_i32 : i32, i32
  }
  func.func @transform_1(%arg0: i32, %arg1: memref<16xi32, #tpu.memory_space<smem>>) -> (i32, i32, i32) {
    %mul3A = arith.constant 8 : i32
    %mul3A_0 = arith.muli %mul3A, %arg0 : i32
    %add3A = arith.constant 0 : i32
    %add3A_1 = arith.addi %mul3A_0, %add3A : i32
    %get3A = arith.index_cast %add3A_1 : i32 to index
    %get3A_2 = memref.load %arg1[%get3A] : memref<16xi32, #tpu.memory_space<smem>>
    %sub3A = arith.constant 1 : i32
    %sub3A_3 = arith.subi %get3A_2, %sub3A : i32
    %c0_i32 = arith.constant 0 : i32
    %c0_i32_4 = arith.constant 0 : i32
    %c0_i32_5 = arith.constant 0 : i32
    return %sub3A_3, %c0_i32, %c0_i32_4 : i32, i32, i32
  }
  func.func @transform_2(%arg0: i32, %arg1: memref<16xi32, #tpu.memory_space<smem>>) -> (i32, i32, i32) {
    %mul3A = arith.constant 8 : i32
    %mul3A_0 = arith.muli %mul3A, %arg0 : i32
    %add3A = arith.constant 1 : i32
    %add3A_1 = arith.addi %mul3A_0, %add3A : i32
    %get3A = arith.index_cast %add3A_1 : i32 to index
    %get3A_2 = memref.load %arg1[%get3A] : memref<16xi32, #tpu.memory_space<smem>>
    %sub3A = arith.constant 1 : i32
    %sub3A_3 = arith.subi %get3A_2, %sub3A : i32
    %c0_i32 = arith.constant 0 : i32
    %c0_i32_4 = arith.constant 0 : i32
    %c0_i32_5 = arith.constant 0 : i32
    return %sub3A_3, %c0_i32, %c0_i32_4 : i32, i32, i32
  }
  func.func @transform_3(%arg0: i32, %arg1: memref<16xi32, #tpu.memory_space<smem>>) -> (i32, i32, i32) {
    %mul3A = arith.constant 8 : i32
    %mul3A_0 = arith.muli %mul3A, %arg0 : i32
    %add3A = arith.constant 2 : i32
    %add3A_1 = arith.addi %mul3A_0, %add3A : i32
    %get3A = arith.index_cast %add3A_1 : i32 to index
    %get3A_2 = memref.load %arg1[%get3A] : memref<16xi32, #tpu.memory_space<smem>>
    %sub3A = arith.constant 1 : i32
    %sub3A_3 = arith.subi %get3A_2, %sub3A : i32
    %c0_i32 = arith.constant 0 : i32
    %c0_i32_4 = arith.constant 0 : i32
    %c0_i32_5 = arith.constant 0 : i32
    return %sub3A_3, %c0_i32, %c0_i32_4 : i32, i32, i32
  }
  func.func @transform_4(%arg0: i32, %arg1: memref<16xi32, #tpu.memory_space<smem>>) -> (i32, i32, i32) {
    %mul3A = arith.constant 8 : i32
    %mul3A_0 = arith.muli %mul3A, %arg0 : i32
    %add3A = arith.constant 3 : i32
    %add3A_1 = arith.addi %mul3A_0, %add3A : i32
    %get3A = arith.index_cast %add3A_1 : i32 to index
    %get3A_2 = memref.load %arg1[%get3A] : memref<16xi32, #tpu.memory_space<smem>>
    %sub3A = arith.constant 1 : i32
    %sub3A_3 = arith.subi %get3A_2, %sub3A : i32
    %c0_i32 = arith.constant 0 : i32
    %c0_i32_4 = arith.constant 0 : i32
    %c0_i32_5 = arith.constant 0 : i32
    return %sub3A_3, %c0_i32, %c0_i32_4 : i32, i32, i32
  }
  func.func @transform_5(%arg0: i32, %arg1: memref<16xi32, #tpu.memory_space<smem>>) -> (i32, i32, i32) {
    %mul3A = arith.constant 8 : i32
    %mul3A_0 = arith.muli %mul3A, %arg0 : i32
    %add3A = arith.constant 4 : i32
    %add3A_1 = arith.addi %mul3A_0, %add3A : i32
    %get3A = arith.index_cast %add3A_1 : i32 to index
    %get3A_2 = memref.load %arg1[%get3A] : memref<16xi32, #tpu.memory_space<smem>>
    %sub3A = arith.constant 1 : i32
    %sub3A_3 = arith.subi %get3A_2, %sub3A : i32
    %c0_i32 = arith.constant 0 : i32
    %c0_i32_4 = arith.constant 0 : i32
    %c0_i32_5 = arith.constant 0 : i32
    return %sub3A_3, %c0_i32, %c0_i32_4 : i32, i32, i32
  }
  func.func @transform_6(%arg0: i32, %arg1: memref<16xi32, #tpu.memory_space<smem>>) -> (i32, i32, i32) {
    %mul3A = arith.constant 8 : i32
    %mul3A_0 = arith.muli %mul3A, %arg0 : i32
    %add3A = arith.constant 5 : i32
    %add3A_1 = arith.addi %mul3A_0, %add3A : i32
    %get3A = arith.index_cast %add3A_1 : i32 to index
    %get3A_2 = memref.load %arg1[%get3A] : memref<16xi32, #tpu.memory_space<smem>>
    %sub3A = arith.constant 1 : i32
    %sub3A_3 = arith.subi %get3A_2, %sub3A : i32
    %c0_i32 = arith.constant 0 : i32
    %c0_i32_4 = arith.constant 0 : i32
    %c0_i32_5 = arith.constant 0 : i32
    return %sub3A_3, %c0_i32, %c0_i32_4 : i32, i32, i32
  }
  func.func @transform_7(%arg0: i32, %arg1: memref<16xi32, #tpu.memory_space<smem>>) -> (i32, i32, i32) {
    %mul3A = arith.constant 8 : i32
    %mul3A_0 = arith.muli %mul3A, %arg0 : i32
    %add3A = arith.constant 6 : i32
    %add3A_1 = arith.addi %mul3A_0, %add3A : i32
    %get3A = arith.index_cast %add3A_1 : i32 to index
    %get3A_2 = memref.load %arg1[%get3A] : memref<16xi32, #tpu.memory_space<smem>>
    %sub3A = arith.constant 1 : i32
    %sub3A_3 = arith.subi %get3A_2, %sub3A : i32
    %c0_i32 = arith.constant 0 : i32
    %c0_i32_4 = arith.constant 0 : i32
    %c0_i32_5 = arith.constant 0 : i32
    return %sub3A_3, %c0_i32, %c0_i32_4 : i32, i32, i32
  }
  func.func @transform_8(%arg0: i32, %arg1: memref<16xi32, #tpu.memory_space<smem>>) -> (i32, i32, i32) {
    %mul3A = arith.constant 8 : i32
    %mul3A_0 = arith.muli %mul3A, %arg0 : i32
    %add3A = arith.constant 7 : i32
    %add3A_1 = arith.addi %mul3A_0, %add3A : i32
    %get3A = arith.index_cast %add3A_1 : i32 to index
    %get3A_2 = memref.load %arg1[%get3A] : memref<16xi32, #tpu.memory_space<smem>>
    %sub3A = arith.constant 1 : i32
    %sub3A_3 = arith.subi %get3A_2, %sub3A : i32
    %c0_i32 = arith.constant 0 : i32
    %c0_i32_4 = arith.constant 0 : i32
    %c0_i32_5 = arith.constant 0 : i32
    return %sub3A_3, %c0_i32, %c0_i32_4 : i32, i32, i32
  }
  func.func @transform_9(%arg0: i32, %arg1: memref<16xi32, #tpu.memory_space<smem>>) -> (i32, i32, i32) {
    %mul3A = arith.constant 8 : i32
    %mul3A_0 = arith.muli %mul3A, %arg0 : i32
    %add3A = arith.constant 0 : i32
    %add3A_1 = arith.addi %mul3A_0, %add3A : i32
    %get3A = arith.index_cast %add3A_1 : i32 to index
    %get3A_2 = memref.load %arg1[%get3A] : memref<16xi32, #tpu.memory_space<smem>>
    %c0_i32 = arith.constant 0 : i32
    %c0_i32_3 = arith.constant 0 : i32
    %c0_i32_4 = arith.constant 0 : i32
    return %get3A_2, %c0_i32, %c0_i32_3 : i32, i32, i32
  }
  func.func @transform_10(%arg0: i32, %arg1: memref<16xi32, #tpu.memory_space<smem>>) -> (i32, i32, i32) {
    %mul3A = arith.constant 8 : i32
    %mul3A_0 = arith.muli %mul3A, %arg0 : i32
    %add3A = arith.constant 1 : i32
    %add3A_1 = arith.addi %mul3A_0, %add3A : i32
    %get3A = arith.index_cast %add3A_1 : i32 to index
    %get3A_2 = memref.load %arg1[%get3A] : memref<16xi32, #tpu.memory_space<smem>>
    %c0_i32 = arith.constant 0 : i32
    %c0_i32_3 = arith.constant 0 : i32
    %c0_i32_4 = arith.constant 0 : i32
    return %get3A_2, %c0_i32, %c0_i32_3 : i32, i32, i32
  }
  func.func @transform_11(%arg0: i32, %arg1: memref<16xi32, #tpu.memory_space<smem>>) -> (i32, i32, i32) {
    %mul3A = arith.constant 8 : i32
    %mul3A_0 = arith.muli %mul3A, %arg0 : i32
    %add3A = arith.constant 2 : i32
    %add3A_1 = arith.addi %mul3A_0, %add3A : i32
    %get3A = arith.index_cast %add3A_1 : i32 to index
    %get3A_2 = memref.load %arg1[%get3A] : memref<16xi32, #tpu.memory_space<smem>>
    %c0_i32 = arith.constant 0 : i32
    %c0_i32_3 = arith.constant 0 : i32
    %c0_i32_4 = arith.constant 0 : i32
    return %get3A_2, %c0_i32, %c0_i32_3 : i32, i32, i32
  }
  func.func @transform_12(%arg0: i32, %arg1: memref<16xi32, #tpu.memory_space<smem>>) -> (i32, i32, i32) {
    %mul3A = arith.constant 8 : i32
    %mul3A_0 = arith.muli %mul3A, %arg0 : i32
    %add3A = arith.constant 3 : i32
    %add3A_1 = arith.addi %mul3A_0, %add3A : i32
    %get3A = arith.index_cast %add3A_1 : i32 to index
    %get3A_2 = memref.load %arg1[%get3A] : memref<16xi32, #tpu.memory_space<smem>>
    %c0_i32 = arith.constant 0 : i32
    %c0_i32_3 = arith.constant 0 : i32
    %c0_i32_4 = arith.constant 0 : i32
    return %get3A_2, %c0_i32, %c0_i32_3 : i32, i32, i32
  }
  func.func @transform_13(%arg0: i32, %arg1: memref<16xi32, #tpu.memory_space<smem>>) -> (i32, i32, i32) {
    %mul3A = arith.constant 8 : i32
    %mul3A_0 = arith.muli %mul3A, %arg0 : i32
    %add3A = arith.constant 4 : i32
    %add3A_1 = arith.addi %mul3A_0, %add3A : i32
    %get3A = arith.index_cast %add3A_1 : i32 to index
    %get3A_2 = memref.load %arg1[%get3A] : memref<16xi32, #tpu.memory_space<smem>>
    %c0_i32 = arith.constant 0 : i32
    %c0_i32_3 = arith.constant 0 : i32
    %c0_i32_4 = arith.constant 0 : i32
    return %get3A_2, %c0_i32, %c0_i32_3 : i32, i32, i32
  }
  func.func @transform_14(%arg0: i32, %arg1: memref<16xi32, #tpu.memory_space<smem>>) -> (i32, i32, i32) {
    %mul3A = arith.constant 8 : i32
    %mul3A_0 = arith.muli %mul3A, %arg0 : i32
    %add3A = arith.constant 5 : i32
    %add3A_1 = arith.addi %mul3A_0, %add3A : i32
    %get3A = arith.index_cast %add3A_1 : i32 to index
    %get3A_2 = memref.load %arg1[%get3A] : memref<16xi32, #tpu.memory_space<smem>>
    %c0_i32 = arith.constant 0 : i32
    %c0_i32_3 = arith.constant 0 : i32
    %c0_i32_4 = arith.constant 0 : i32
    return %get3A_2, %c0_i32, %c0_i32_3 : i32, i32, i32
  }
  func.func @transform_15(%arg0: i32, %arg1: memref<16xi32, #tpu.memory_space<smem>>) -> (i32, i32, i32) {
    %mul3A = arith.constant 8 : i32
    %mul3A_0 = arith.muli %mul3A, %arg0 : i32
    %add3A = arith.constant 6 : i32
    %add3A_1 = arith.addi %mul3A_0, %add3A : i32
    %get3A = arith.index_cast %add3A_1 : i32 to index
    %get3A_2 = memref.load %arg1[%get3A] : memref<16xi32, #tpu.memory_space<smem>>
    %c0_i32 = arith.constant 0 : i32
    %c0_i32_3 = arith.constant 0 : i32
    %c0_i32_4 = arith.constant 0 : i32
    return %get3A_2, %c0_i32, %c0_i32_3 : i32, i32, i32
  }
  func.func @transform_16(%arg0: i32, %arg1: memref<16xi32, #tpu.memory_space<smem>>) -> (i32, i32, i32) {
    %mul3A = arith.constant 8 : i32
    %mul3A_0 = arith.muli %mul3A, %arg0 : i32
    %add3A = arith.constant 7 : i32
    %add3A_1 = arith.addi %mul3A_0, %add3A : i32
    %get3A = arith.index_cast %add3A_1 : i32 to index
    %get3A_2 = memref.load %arg1[%get3A] : memref<16xi32, #tpu.memory_space<smem>>
    %c0_i32 = arith.constant 0 : i32
    %c0_i32_3 = arith.constant 0 : i32
    %c0_i32_4 = arith.constant 0 : i32
    return %get3A_2, %c0_i32, %c0_i32_3 : i32, i32, i32
  }
  func.func @transform_17(%arg0: i32, %arg1: memref<16xi32, #tpu.memory_space<smem>>) -> (i32, i32, i32, i32) {
    %c0_i32 = arith.constant 0 : i32
    %c0_i32_0 = arith.constant 0 : i32
    %c0_i32_1 = arith.constant 0 : i32
    %c0_i32_2 = arith.constant 0 : i32
    return %c0_i32, %arg0, %c0_i32_0, %c0_i32_1 : i32, i32, i32, i32
  }
  func.func @transform_18(%arg0: i32, %arg1: memref<16xi32, #tpu.memory_space<smem>>) -> (i32, i32, i32) {
    %c0_i32 = arith.constant 0 : i32
    %c0_i32_0 = arith.constant 0 : i32
    %c0_i32_1 = arith.constant 0 : i32
    return %arg0, %c0_i32, %c0_i32_0 : i32, i32, i32
  }
  func.func @transform_19(%arg0: i32, %arg1: memref<16xi32, #tpu.memory_space<smem>>) -> (i32, i32) {
    %c0_i32 = arith.constant 0 : i32
    %c0_i32_0 = arith.constant 0 : i32
    %c0_i32_1 = arith.constant 0 : i32
    return %c0_i32, %c0_i32_0 : i32, i32
  }
}

module attributes {stable_mosaic.version = 14 : i64} {
  func.func @_tc_mlp_body(%arg0: i32, %arg1: memref<16xi32, #tpu.memory_space<smem>>, %arg2: memref<1024x128xf32, #tpu.memory_space<vmem>>, %arg3: memref<128x256xf32, #tpu.memory_space<vmem>>, %arg4: memref<256x256xf32, #tpu.memory_space<vmem>>, %arg5: memref<1x1x256xf32, #tpu.memory_space<vmem>>, %arg6: memref<1x1x256xf32, #tpu.memory_space<vmem>>, %arg7: memref<1x1x256xf32, #tpu.memory_space<vmem>>, %arg8: memref<1x1x256xf32, #tpu.memory_space<vmem>>, %arg9: memref<1x1x256xf32, #tpu.memory_space<vmem>>, %arg10: memref<1x1x256xf32, #tpu.memory_space<vmem>>, %arg11: memref<1x1x256xf32, #tpu.memory_space<vmem>>, %arg12: memref<1x1x256xf32, #tpu.memory_space<vmem>>, %arg13: memref<1024x256xbf16, #tpu.memory_space<vmem>>) attributes {dimension_semantics = [#tpu.dimension_semantics<arbitrary>], iteration_bounds = array<i64: 2>, scalar_prefetch = 1 : i64, scratch_operands = 0 : i64, tpu.core_type = #tpu.core_type<tc>, window_params = [{transform_indices = @transform_0, window_bounds = array<i64: 1024, 128>}, {pipeline_mode = #tpu.pipeline_mode<synchronous>, transform_indices = @transform_1, window_bounds = array<i64: 128, 256>}, {pipeline_mode = #tpu.pipeline_mode<synchronous>, transform_indices = @transform_2, window_bounds = array<i64: 256, 256>}, {transform_indices = @transform_3, window_bounds = array<i64: 1, 1, 256>}, {transform_indices = @transform_4, window_bounds = array<i64: 1, 1, 256>}, {transform_indices = @transform_5, window_bounds = array<i64: 1, 1, 256>}, {transform_indices = @transform_6, window_bounds = array<i64: 1, 1, 256>}, {transform_indices = @transform_7, window_bounds = array<i64: 1, 1, 256>}, {transform_indices = @transform_8, window_bounds = array<i64: 1, 1, 256>}, {transform_indices = @transform_9, window_bounds = array<i64: 1, 1, 256>}, {transform_indices = @transform_10, window_bounds = array<i64: 1, 1, 256>}, {transform_indices = @transform_11, window_bounds = array<i64: 1024, 256>}]} {
    %get3A = arith.constant 0 : index
    %get3A_0 = arith.constant 0 : index
    %get3A_1 = vector.load %arg2[%get3A, %get3A_0] : memref<1024x128xf32, #tpu.memory_space<vmem>>, vector<1024x128xf32>
    %get3A_2 = arith.constant 0 : index
    %get3A_3 = arith.constant 0 : index
    %get3A_4 = vector.load %arg3[%get3A_2, %get3A_3] : memref<128x256xf32, #tpu.memory_space<vmem>>, vector<128x256xf32>
    %dot_general3A = arith.constant dense<0.000000e+00> : vector<1024x256xf32>
    %dot_general3A_5 = tpu.matmul %get3A_1, %get3A_4, %dot_general3A {dimension_numbers = #tpu.dot_dimension_numbers<[1], [0], [0], [1], [0, 0, 1, 1], [], []>, transpose_lhs_hint = false} : vector<1024x128xf32>, vector<128x256xf32>, vector<1024x256xf32> -> vector<1024x256xf32>
    %get3A_6 = arith.constant 0 : index
    %get3A_7 = arith.constant 0 : index
    %get3A_8 = arith.constant 0 : index
    %get3A_9 = vector.load %arg5[%get3A_6, %get3A_7, %get3A_8] : memref<1x1x256xf32, #tpu.memory_space<vmem>>, vector<1x1x256xf32>
    %get3A_10 = vector.shape_cast %get3A_9 : vector<1x1x256xf32> to vector<256xf32>
    %broadcast_in_dim3A = vector.shape_cast %get3A_10 : vector<256xf32> to vector<1x256xf32>
    %broadcast_in_dim3A_11 = vector.broadcast %broadcast_in_dim3A : vector<1x256xf32> to vector<128x256xf32>
    %get3A_12 = arith.constant 0 : index
    %get3A_13 = arith.constant 0 : index
    %get3A_14 = arith.constant 0 : index
    %get3A_15 = vector.load %arg6[%get3A_12, %get3A_13, %get3A_14] : memref<1x1x256xf32, #tpu.memory_space<vmem>>, vector<1x1x256xf32>
    %get3A_16 = vector.shape_cast %get3A_15 : vector<1x1x256xf32> to vector<256xf32>
    %broadcast_in_dim3A_17 = vector.shape_cast %get3A_16 : vector<256xf32> to vector<1x256xf32>
    %broadcast_in_dim3A_18 = vector.broadcast %broadcast_in_dim3A_17 : vector<1x256xf32> to vector<128x256xf32>
    %get3A_19 = arith.constant 0 : index
    %get3A_20 = arith.constant 0 : index
    %get3A_21 = arith.constant 0 : index
    %get3A_22 = vector.load %arg7[%get3A_19, %get3A_20, %get3A_21] : memref<1x1x256xf32, #tpu.memory_space<vmem>>, vector<1x1x256xf32>
    %get3A_23 = vector.shape_cast %get3A_22 : vector<1x1x256xf32> to vector<256xf32>
    %broadcast_in_dim3A_24 = vector.shape_cast %get3A_23 : vector<256xf32> to vector<1x256xf32>
    %broadcast_in_dim3A_25 = vector.broadcast %broadcast_in_dim3A_24 : vector<1x256xf32> to vector<128x256xf32>
    %get3A_26 = arith.constant 0 : index
    %get3A_27 = arith.constant 0 : index
    %get3A_28 = arith.constant 0 : index
    %get3A_29 = vector.load %arg8[%get3A_26, %get3A_27, %get3A_28] : memref<1x1x256xf32, #tpu.memory_space<vmem>>, vector<1x1x256xf32>
    %get3A_30 = vector.shape_cast %get3A_29 : vector<1x1x256xf32> to vector<256xf32>
    %broadcast_in_dim3A_31 = vector.shape_cast %get3A_30 : vector<256xf32> to vector<1x256xf32>
    %broadcast_in_dim3A_32 = vector.broadcast %broadcast_in_dim3A_31 : vector<1x256xf32> to vector<128x256xf32>
    %get3A_33 = arith.constant 0 : index
    %get3A_34 = arith.constant 0 : index
    %get3A_35 = arith.constant 0 : index
    %get3A_36 = vector.load %arg9[%get3A_33, %get3A_34, %get3A_35] : memref<1x1x256xf32, #tpu.memory_space<vmem>>, vector<1x1x256xf32>
    %get3A_37 = vector.shape_cast %get3A_36 : vector<1x1x256xf32> to vector<256xf32>
    %broadcast_in_dim3A_38 = vector.shape_cast %get3A_37 : vector<256xf32> to vector<1x256xf32>
    %broadcast_in_dim3A_39 = vector.broadcast %broadcast_in_dim3A_38 : vector<1x256xf32> to vector<128x256xf32>
    %get3A_40 = arith.constant 0 : index
    %get3A_41 = arith.constant 0 : index
    %get3A_42 = arith.constant 0 : index
    %get3A_43 = vector.load %arg10[%get3A_40, %get3A_41, %get3A_42] : memref<1x1x256xf32, #tpu.memory_space<vmem>>, vector<1x1x256xf32>
    %get3A_44 = vector.shape_cast %get3A_43 : vector<1x1x256xf32> to vector<256xf32>
    %broadcast_in_dim3A_45 = vector.shape_cast %get3A_44 : vector<256xf32> to vector<1x256xf32>
    %broadcast_in_dim3A_46 = vector.broadcast %broadcast_in_dim3A_45 : vector<1x256xf32> to vector<128x256xf32>
    %get3A_47 = arith.constant 0 : index
    %get3A_48 = arith.constant 0 : index
    %get3A_49 = arith.constant 0 : index
    %get3A_50 = vector.load %arg11[%get3A_47, %get3A_48, %get3A_49] : memref<1x1x256xf32, #tpu.memory_space<vmem>>, vector<1x1x256xf32>
    %get3A_51 = vector.shape_cast %get3A_50 : vector<1x1x256xf32> to vector<256xf32>
    %broadcast_in_dim3A_52 = vector.shape_cast %get3A_51 : vector<256xf32> to vector<1x256xf32>
    %broadcast_in_dim3A_53 = vector.broadcast %broadcast_in_dim3A_52 : vector<1x256xf32> to vector<128x256xf32>
    %get3A_54 = arith.constant 0 : index
    %get3A_55 = arith.constant 0 : index
    %get3A_56 = arith.constant 0 : index
    %get3A_57 = vector.load %arg12[%get3A_54, %get3A_55, %get3A_56] : memref<1x1x256xf32, #tpu.memory_space<vmem>>, vector<1x1x256xf32>
    %get3A_58 = vector.shape_cast %get3A_57 : vector<1x1x256xf32> to vector<256xf32>
    %broadcast_in_dim3A_59 = vector.shape_cast %get3A_58 : vector<256xf32> to vector<1x256xf32>
    %broadcast_in_dim3A_60 = vector.broadcast %broadcast_in_dim3A_59 : vector<1x256xf32> to vector<128x256xf32>
    %concatenate3A = tpu.concatenate %broadcast_in_dim3A_11, %broadcast_in_dim3A_18, %broadcast_in_dim3A_25, %broadcast_in_dim3A_32, %broadcast_in_dim3A_39, %broadcast_in_dim3A_46, %broadcast_in_dim3A_53, %broadcast_in_dim3A_60 in 0 : vector<128x256xf32>, vector<128x256xf32>, vector<128x256xf32>, vector<128x256xf32>, vector<128x256xf32>, vector<128x256xf32>, vector<128x256xf32>, vector<128x256xf32> -> vector<1024x256xf32>
    %max3A = arith.constant 0.000000e+00 : f32
    %max3A_61 = vector.broadcast %max3A : f32 to vector<1024x256xf32>
    %max3A_62 = arith.maximumf %dot_general3A_5, %max3A_61 : vector<1024x256xf32>
    %add3A = arith.addf %max3A_62, %concatenate3A : vector<1024x256xf32>
    %get3A_63 = arith.constant 0 : index
    %get3A_64 = arith.constant 0 : index
    %get3A_65 = vector.load %arg4[%get3A_63, %get3A_64] : memref<256x256xf32, #tpu.memory_space<vmem>>, vector<256x256xf32>
    %dot_general3A_66 = arith.constant dense<0.000000e+00> : vector<1024x256xf32>
    %dot_general3A_67 = tpu.matmul %add3A, %get3A_65, %dot_general3A_66 {dimension_numbers = #tpu.dot_dimension_numbers<[1], [0], [0], [1], [0, 0, 1, 1], [], []>, transpose_lhs_hint = false} : vector<1024x256xf32>, vector<256x256xf32>, vector<1024x256xf32> -> vector<1024x256xf32>
    %max3A_68 = arith.constant 0.000000e+00 : f32
    %max3A_69 = vector.broadcast %max3A_68 : f32 to vector<1024x256xf32>
    %max3A_70 = arith.maximumf %dot_general3A_67, %max3A_69 : vector<1024x256xf32>
    %convert_element_type3A = arith.truncf %max3A_70 : vector<1024x256xf32> to vector<1024x256xbf16>
    %swap3A = arith.constant 0 : index
    %swap3A_71 = arith.constant 0 : index
    %swap3A_72 = vector.load %arg13[%swap3A, %swap3A_71] : memref<1024x256xbf16, #tpu.memory_space<vmem>>, vector<1024x256xbf16>
    tpu.vector_store %arg13[%swap3A, %swap3A_71], %convert_element_type3A {strides = array<i32>} : memref<1024x256xbf16, #tpu.memory_space<vmem>>, vector<1024x256xbf16>,
    return
  }
  func.func @transform_0(%arg0: i32, %arg1: memref<16xi32, #tpu.memory_space<smem>>) -> (i32, i32) {
    %c0_i32 = arith.constant 0 : i32
    %c0_i32_0 = arith.constant 0 : i32
    return %arg0, %c0_i32 : i32, i32
  }
  func.func @transform_1(%arg0: i32, %arg1: memref<16xi32, #tpu.memory_space<smem>>) -> (i32, i32) {
    %c0_i32 = arith.constant 0 : i32
    %c0_i32_0 = arith.constant 0 : i32
    %c0_i32_1 = arith.constant 0 : i32
    return %c0_i32, %c0_i32_0 : i32, i32
  }
  func.func @transform_2(%arg0: i32, %arg1: memref<16xi32, #tpu.memory_space<smem>>) -> (i32, i32) {
    %c0_i32 = arith.constant 0 : i32
    %c0_i32_0 = arith.constant 0 : i32
    %c0_i32_1 = arith.constant 0 : i32
    return %c0_i32, %c0_i32_0 : i32, i32
  }
  func.func @transform_3(%arg0: i32, %arg1: memref<16xi32, #tpu.memory_space<smem>>) -> (i32, i32, i32) {
    %mul3A = arith.constant 8 : i32
    %mul3A_0 = arith.muli %mul3A, %arg0 : i32
    %add3A = arith.constant 0 : i32
    %add3A_1 = arith.addi %mul3A_0, %add3A : i32
    %get3A = arith.index_cast %add3A_1 : i32 to index
    %get3A_2 = memref.load %arg1[%get3A] : memref<16xi32, #tpu.memory_space<smem>>
    %c0_i32 = arith.constant 0 : i32
    %c0_i32_3 = arith.constant 0 : i32
    %c0_i32_4 = arith.constant 0 : i32
    return %get3A_2, %c0_i32, %c0_i32_3 : i32, i32, i32
  }
  func.func @transform_4(%arg0: i32, %arg1: memref<16xi32, #tpu.memory_space<smem>>) -> (i32, i32, i32) {
    %mul3A = arith.constant 8 : i32
    %mul3A_0 = arith.muli %mul3A, %arg0 : i32
    %add3A = arith.constant 1 : i32
    %add3A_1 = arith.addi %mul3A_0, %add3A : i32
    %get3A = arith.index_cast %add3A_1 : i32 to index
    %get3A_2 = memref.load %arg1[%get3A] : memref<16xi32, #tpu.memory_space<smem>>
    %c0_i32 = arith.constant 0 : i32
    %c0_i32_3 = arith.constant 0 : i32
    %c0_i32_4 = arith.constant 0 : i32
    return %get3A_2, %c0_i32, %c0_i32_3 : i32, i32, i32
  }
  func.func @transform_5(%arg0: i32, %arg1: memref<16xi32, #tpu.memory_space<smem>>) -> (i32, i32, i32) {
    %mul3A = arith.constant 8 : i32
    %mul3A_0 = arith.muli %mul3A, %arg0 : i32
    %add3A = arith.constant 2 : i32
    %add3A_1 = arith.addi %mul3A_0, %add3A : i32
    %get3A = arith.index_cast %add3A_1 : i32 to index
    %get3A_2 = memref.load %arg1[%get3A] : memref<16xi32, #tpu.memory_space<smem>>
    %c0_i32 = arith.constant 0 : i32
    %c0_i32_3 = arith.constant 0 : i32
    %c0_i32_4 = arith.constant 0 : i32
    return %get3A_2, %c0_i32, %c0_i32_3 : i32, i32, i32
  }
  func.func @transform_6(%arg0: i32, %arg1: memref<16xi32, #tpu.memory_space<smem>>) -> (i32, i32, i32) {
    %mul3A = arith.constant 8 : i32
    %mul3A_0 = arith.muli %mul3A, %arg0 : i32
    %add3A = arith.constant 3 : i32
    %add3A_1 = arith.addi %mul3A_0, %add3A : i32
    %get3A = arith.index_cast %add3A_1 : i32 to index
    %get3A_2 = memref.load %arg1[%get3A] : memref<16xi32, #tpu.memory_space<smem>>
    %c0_i32 = arith.constant 0 : i32
    %c0_i32_3 = arith.constant 0 : i32
    %c0_i32_4 = arith.constant 0 : i32
    return %get3A_2, %c0_i32, %c0_i32_3 : i32, i32, i32
  }
  func.func @transform_7(%arg0: i32, %arg1: memref<16xi32, #tpu.memory_space<smem>>) -> (i32, i32, i32) {
    %mul3A = arith.constant 8 : i32
    %mul3A_0 = arith.muli %mul3A, %arg0 : i32
    %add3A = arith.constant 4 : i32
    %add3A_1 = arith.addi %mul3A_0, %add3A : i32
    %get3A = arith.index_cast %add3A_1 : i32 to index
    %get3A_2 = memref.load %arg1[%get3A] : memref<16xi32, #tpu.memory_space<smem>>
    %c0_i32 = arith.constant 0 : i32
    %c0_i32_3 = arith.constant 0 : i32
    %c0_i32_4 = arith.constant 0 : i32
    return %get3A_2, %c0_i32, %c0_i32_3 : i32, i32, i32
  }
  func.func @transform_8(%arg0: i32, %arg1: memref<16xi32, #tpu.memory_space<smem>>) -> (i32, i32, i32) {
    %mul3A = arith.constant 8 : i32
    %mul3A_0 = arith.muli %mul3A, %arg0 : i32
    %add3A = arith.constant 5 : i32
    %add3A_1 = arith.addi %mul3A_0, %add3A : i32
    %get3A = arith.index_cast %add3A_1 : i32 to index
    %get3A_2 = memref.load %arg1[%get3A] : memref<16xi32, #tpu.memory_space<smem>>
    %c0_i32 = arith.constant 0 : i32
    %c0_i32_3 = arith.constant 0 : i32
    %c0_i32_4 = arith.constant 0 : i32
    return %get3A_2, %c0_i32, %c0_i32_3 : i32, i32, i32
  }
  func.func @transform_9(%arg0: i32, %arg1: memref<16xi32, #tpu.memory_space<smem>>) -> (i32, i32, i32) {
    %mul3A = arith.constant 8 : i32
    %mul3A_0 = arith.muli %mul3A, %arg0 : i32
    %add3A = arith.constant 6 : i32
    %add3A_1 = arith.addi %mul3A_0, %add3A : i32
    %get3A = arith.index_cast %add3A_1 : i32 to index
    %get3A_2 = memref.load %arg1[%get3A] : memref<16xi32, #tpu.memory_space<smem>>
    %c0_i32 = arith.constant 0 : i32
    %c0_i32_3 = arith.constant 0 : i32
    %c0_i32_4 = arith.constant 0 : i32
    return %get3A_2, %c0_i32, %c0_i32_3 : i32, i32, i32
  }
  func.func @transform_10(%arg0: i32, %arg1: memref<16xi32, #tpu.memory_space<smem>>) -> (i32, i32, i32) {
    %mul3A = arith.constant 8 : i32
    %mul3A_0 = arith.muli %mul3A, %arg0 : i32
    %add3A = arith.constant 7 : i32
    %add3A_1 = arith.addi %mul3A_0, %add3A : i32
    %get3A = arith.index_cast %add3A_1 : i32 to index
    %get3A_2 = memref.load %arg1[%get3A] : memref<16xi32, #tpu.memory_space<smem>>
    %c0_i32 = arith.constant 0 : i32
    %c0_i32_3 = arith.constant 0 : i32
    %c0_i32_4 = arith.constant 0 : i32
    return %get3A_2, %c0_i32, %c0_i32_3 : i32, i32, i32
  }
  func.func @transform_11(%arg0: i32, %arg1: memref<16xi32, #tpu.memory_space<smem>>) -> (i32, i32) {
    %c0_i32 = arith.constant 0 : i32
    %c0_i32_0 = arith.constant 0 : i32
    return %arg0, %c0_i32 : i32, i32
  }
}

</mosaic_0001>

<sc_bundles>
// kernel: kernel.5.cloned.1.call-start
scs
__scs_entry_jumppad:
0x0: {  	(pc) =	sbr.rel $0x88, $3  }
0x1: {  	(tag) =	ssettag $0x0;
	lr =	simm.s32 $0x1  }
0x2: {  	[smem:$0x3F9B] =	sst lr;
	_ =	strace $0xD0000000  }
0x3: {  	_ = 	snop  }
0x4: {  	_ = 	snop  }
0x5: {  	_ = 	snop  }
0x6: {  	_ = 	snop  }
0x7: {  	_ = 	snop  }
__scs_overlays_trampoline_lowered:
0x8: {  	[smem:$0x3FAA] =	sst s0  }
0x9: {  	[smem:$0x3FAB] =	sst s1  }
0xa: {  	[smem:$0x3FAC] =	sst s2  }
0xb: {  	[smem:$0x3FAD] =	sst s3  }
0xc: {  	[smem:$0x3FAE] =	sst s4  }
0xd: {  	[smem:$0x3FAF] =	sst s5  }
0xe: {  	[smem:$0x3FB0] =	sst s6  }
0xf: {  	[smem:$0x3FB1] =	sst s7  }
0x10: {  	[smem:$0x3FB2] =	sst s8  }
0x11: {  	[smem:$0x3FB3] =	sst s9;
	s0 =	simm.s32 @!p0 $0x0  }
0x12: {  	s1 =	sld [smem:$0x3F99];
	s0 =	simm.s32 @p0 $0x1  }
0x13: {  	[smem:$0x3FB4] =	sst s0;
	s0 =	simm.s32 @!p1 $0x0  }
0x14: {  	s2 =	sld [smem:$0x3F98];
	s0 =	simm.s32 @p1 $0x1  }
0x15: {  	[smem:$0x3FB5] =	sst s0;
	s0 =	simm.s32 @!p2 $0x0  }
0x16: {  	s3 =	sld [smem:$0x3FDB];
	s0 =	simm.s32 @p2 $0x1  }
0x17: {  	s4 =	simm.s32 $0x1BF5;
	[smem:$0x3FB7] =	sst s0  }
0x18: {  	s0 =	sld [smem:$0x3F9A];
	_ =	swait.ge [sflag:s4], $0x0  }
0x19: {  	s7 =	sld [smem:$0x3F9B]  }
0x1a: {  	s8 =	sadd.s32 $0xFFFFE003, lr  }
0x1b: {  	s9 =	sadd.s32 $0xFFFFFEF7, lr;
	s5 =	simm.s32 $0xFFFFFFFF;
	p2 =	slt.u32 s8, $0xFFFFF086  }
0x1c: {  	p1 =	slt.u32 s9, $0xF7A;
	s5 =	simm.s32 @!p2 $0x0  }
0x1d: {  	s5 =	simm.s32 @p1 $0x1;
	p0 =	seq.s32 s7, s2  }
0x1e: {  	s7 =	smul.u32 @!p0 $0xF7A, s2;
	p2 =	seq.s32 @!p0 s5, $0x0  }
0x1f: {  	s9 =	smul.u32 $0xF7A, s1;
	s8 =	simm.s32 @!p0 $0x1BF5;
	p2 =	por !p2, p0  }
0x20: {  	[sflag:s8] =	ssyncset.s32 @!p0 $0xFFFFF086;
	s6 =	sadd.s32 @!p0 s3, s7;
	s7 =	simm.s32 @!p0 $0x108  }
0x21: {  	s3 =	sadd.s32 s3, s9;
	s6 =	sadd.s32 @!p0 $0x88, s6;
	s7 =	simm.s32 @p2 $0x1082  }
0x22: {  	[simem:s7], [sflag:s8] =	dma.local @!p0 [hbm:s6], $0xF7A  }
0x23: {  	s9 =	sor.u32 $0xD0000000, s2;
	s6 =	simm.s32 $0x108;
	_ =	swait.ge @!p0 [sflag:s8], $0x0  }
0x24: {  	s3 =	sadd.s32 $0x88, s3;
	s6 =	simm.s32 @!p1 $0x1082;
	[sflag:s4] =	ssyncset.s32 $0xFFFFF086  }
0x25: {  	[simem:s6], [sflag:s4] =	dma.local [hbm:s3], $0xF7A  }
0x26: {  	[smem:$0x3F9B] =	sst s1;
	(tag) =	ssettag s2;
	_ =	strace s9  }
0x27: {  	s1 =	sld [smem:$0x3FAB]  }
0x28: {  	s2 =	sld [smem:$0x3FAC]  }
0x29: {  	s4 =	sld [smem:$0x3FAE]  }
0x2a: {  	p0 =	seq.s32 s5, $0x0;
	s5 =	sld [smem:$0x3FAF]  }
0x2b: {  	s6 =	sld [smem:$0x3FB0]  }
0x2c: {  	s7 =	sld [smem:$0x3FB1]  }
0x2d: {  	s3 =	simm.s32 $0x108;
	s8 =	sld [smem:$0x3FB2]  }
0x2e: {  	s3 =	simm.s32 @!p0 $0x1082;
	s9 =	sld [smem:$0x3FB3]  }
0x2f: {  	lr =	sadd.s32 s0, s3;
	s0 =	sld [smem:$0x3FAA]  }
0x30: {  	s3 =	sld [smem:$0x3FAD]  }
0x31: {  	[smem:$0x3FB6] =	sst s10  }
0x32: {  	s10 =	sld [smem:$0x3FB4];
	_ =	sdelay $0x3  }
0x33: {  	p0 =	seq.s32 s10, $0x1;
	s10 =	sld [smem:$0x3FB6];
	_ =	sdelay $0x3  }
0x34: {  	[smem:$0x3FB6] =	sst s10  }
0x35: {  	s10 =	sld [smem:$0x3FB5];
	_ =	sdelay $0x3  }
0x36: {  	p1 =	seq.s32 s10, $0x1;
	s10 =	sld [smem:$0x3FB6];
	_ =	sdelay $0x3  }
0x37: {  	[smem:$0x3FB6] =	sst s10  }
0x38: {  	s10 =	sld [smem:$0x3FB7]  }
0x39: {  	_ = 	snop;
	(pc) =	sbr.ind lr, $3  }
0x3a: {  	_ = 	snop  }
0x3b: {  	_ = 	snop  }
0x3c: {  	p2 =	seq.s32 s10, $0x1;
	s10 =	sld [smem:$0x3FB6]  }
0x3d: {  	_ =	shalt  }
0x3e: {  	_ =	shalt  }
0x3f: {  	_ =	shalt  }
0x40: {  	_ =	shalt  }
0x41: {  	_ =	shalt  }
0x42: {  	_ =	shalt  }
0x43: {  	_ =	shalt  }
0x44: {  	_ =	shalt  }
0x45: {  	_ =	shalt  }
0x46: {  	_ =	shalt  }
0x47: {  	_ =	shalt  }
0x48: {  	_ =	shalt  }
0x49: {  	_ =	shalt  }
0x4a: {  	_ =	shalt  }
0x4b: {  	_ =	shalt  }
0x4c: {  	_ =	shalt  }
0x4d: {  	_ =	shalt  }
0x4e: {  	_ =	shalt  }
0x4f: {  	_ =	shalt  }
0x50: {  	_ =	shalt  }
0x51: {  	_ =	shalt  }
0x52: {  	_ =	shalt  }
0x53: {  	_ =	shalt  }
0x54: {  	_ =	shalt  }
0x55: {  	_ =	shalt  }
0x56: {  	_ =	shalt  }
0x57: {  	_ =	shalt  }
0x58: {  	_ =	shalt  }
0x59: {  	_ =	shalt  }
0x5a: {  	_ =	shalt  }
0x5b: {  	_ =	shalt  }
0x5c: {  	_ =	shalt  }
0x5d: {  	_ =	shalt  }
0x5e: {  	_ =	shalt  }
0x5f: {  	_ =	shalt  }
0x60: {  	_ =	shalt  }
0x61: {  	_ =	shalt  }
0x62: {  	_ =	shalt  }
0x63: {  	_ =	shalt  }
0x64: {  	_ =	shalt  }
0x65: {  	_ =	shalt  }
0x66: {  	_ =	shalt  }
0x67: {  	_ =	shalt  }
0x68: {  	_ =	shalt  }
0x69: {  	_ =	shalt  }
0x6a: {  	_ =	shalt  }
0x6b: {  	_ =	shalt  }
0x6c: {  	_ =	shalt  }
0x6d: {  	_ =	shalt  }
0x6e: {  	_ =	shalt  }
0x6f: {  	_ =	shalt  }
0x70: {  	_ =	shalt  }
0x71: {  	_ =	shalt  }
0x72: {  	_ =	shalt  }
0x73: {  	_ =	shalt  }
0x74: {  	_ =	shalt  }
0x75: {  	_ =	shalt  }
0x76: {  	_ =	shalt  }
0x77: {  	_ =	shalt  }
0x78: {  	_ =	shalt  }
0x79: {  	_ =	shalt  }
0x7a: {  	_ =	shalt  }
0x7b: {  	_ =	shalt  }
0x7c: {  	_ =	shalt  }
0x7d: {  	_ =	shalt  }
0x7e: {  	_ =	shalt  }
0x7f: {  	_ =	shalt  }
0x80: {  	_ =	shalt  }
0x81: {  	_ =	shalt  }
0x82: {  	_ =	shalt  }
0x83: {  	_ =	shalt  }
0x84: {  	_ =	shalt  }
0x85: {  	_ =	shalt  }
0x86: {  	_ =	shalt  }
0x87: {  	_ =	shalt  }
.Lfunc_end0:
.L_simem_size_0:
called_computation_lowered:
.L_overlay_start_0:
0x88: {  	s2 =	sld [smem:$0x3FD9]  }
0x89: {  	s3 =	sld [smem:$0x3FFE];
	_ =	sdelay $0x1  }
0x8a: {  	s1 =	srdreg.scid  }
0x8b: {  	s0 =	sand.u32 $0x1, s1  }
0x8c: {  	s17 =	sshll.u32 s0, $0xA;
	s2 =	sadd.s32 s3, s2  }
0x8d: {  	s2 =	sadd.s32 s2, s17  }
0x8e: {  	[smem:$0x3FC2] =	sst s2  }
0x8f: {  	_ = 	snop  }
0x90: {  	s2 =	sld [smem:$0x3FC8];
	(tm) =	ssettm $0x1  }
0x91: {  	s18 =	sld [smem:$0x3FFB];
	_ =	sdelay $0x3  }
0x92: {  	_ =	strace s18  }
0x93: {  	s3 =	sld [smem:$0x3FFC];
	_ =	sdelay $0x3  }
0x94: {  	_ =	strace s3  }
0x95: {  	s3 =	sld [smem:$0x3FFD];
	_ =	sdelay $0x3  }
0x96: {  	_ =	strace s3  }
0x97: {  	_ =	strace $0x8FFFFFFF  }
0x98: {  	s19 =	sld [smem:$0x3FDB];
	_ =	sdelay $0x1  }
0x99: {  	s4 =	simm.s32 $_scs_section_size  }
0x9a: {  	s5 =	simm.s32 $_size__tile_overlayer_lowered;
	s6 =	simm.s32 $_tile_overlayer_lowered  }
0x9b: {  	s22 =	simm.s32 $0x1BFF;
	s21 =	sshll.u32 s6, $0x1;
	s3 =	sadd.s32 s4, s19  }
0x9c: {  	s7 =	simm.s32 $0x0;
	s20 =	sshll.u32 s5, $0x1;
	s5 =	sadd.s32 s21, s3  }
0x9d: {  	[timem:s7], [sflag:s22] =	dma.local [hbm:s5], s20  }
0x9e: {  	_ =	swait.ge [sflag:s22], s20  }
0x9f: {  	s4 =	ssub.s32 $0x0, s20;
	[sflag:s22] =	ssyncset.done $0x0  }
0xa0: {  	[sflag:s22] =	ssyncadd.s32 s4;
	_ =	sdelay $0x1  }
0xa1: {  	s23 =	simm.s32 $0x1B8B  }
0xa2: {  	_ =	swait.ge [sflag:s23], $0x1  }
0xa3: {  	[sflag:s23] =	ssyncset.done $0x0  }
0xa4: {  	s25 =	simm.s32 $0x1B8E;
	s24 =	sld [smem:$0x3FFE];
	[sflag:s23] =	ssyncadd.s32 $0xFFFFFFFF  }
0xa5: {  	s26 =	simm.s32 $execute0_lowered;
	[smem:$0x3FD2] =	sst s25  }
0xa6: {  	s5 =	sshll.u32 s26, $0x1;
	_ =	strace $0x80000046;
	[dreg:$0x1] =	wrdreg $0xFFFFFFFF  }
0xa7: {  	s28 =	simm.s32 $_size_execute0_lowered;
	s3 =	sadd.s32 s3, s5;
	[dreg:$0x0] =	wrdreg $0x0  }
0xa8: {  	s5 =	sshll.u32 s28, $0x1;
	[dreg:$0x2] =	wrdreg s3  }
0xa9: {  	[dreg:$0x3] =	wrdreg s5  }
0xaa: {  	[dreg:$0x4] =	wrdreg $0xC0  }
0xab: {  	_ =	task [dreg:s7], $0x5FFFF  }
0xac: {  	[dreg:$0x1] =	wrdreg $0xFFFFFFFF  }
0xad: {  	[dreg:$0x0] =	wrdreg $0x60  }
0xae: {  	[dreg:$0x2] =	wrdreg s2  }
0xaf: {  	[dreg:$0x3] =	wrdreg s24  }
0xb0: {  	[dreg:$0x4] =	wrdreg $0x9  }
0xb1: {  	_ =	task.clear_ibuf [dreg:s7], $0x5FFFF;
	_ =	strace $0x90000046  }
0xb2: {  	s29 =	simm.s32 $0x9;
	_ =	strace $0x80000048  }
0xb3: {  	_ =	swait.ge [sflag:s29], $0x1  }
0xb4: {  	[sflag:s29] =	ssyncadd.s32 $0xFFFFFFFF  }
0xb5: {  	_ =	strace $0x90000048  }
0xb6: {  	_ =	sfence  }
0xb7: {  	s30 =	sld [smem:$0x0];
	_ =	sdelay $0x2  }
0xb8: {  	s31 =	sshll.u32 s1, $0xD;
	s1 =	sshrl.u32 s1, $0x2  }
0xb9: {  	s3 =	sand.u32 $0x4000, s31;
	s1 =	sadd.s32 s1, s30  }
0xba: {  	s0 =	sor.u32 s3, s0;
	s1 =	sshll.u32 s1, $0x11  }
0xbb: {  	s0 =	sor.u32 s1, s0  }
0xbc: {  	s0 =	sadd.s32 $0x8F2B, s0  }
0xbd: {  	[sflag:s0] =	ssyncadd.remote.s32 $0x1  }
0xbe: {  	_ =	sfence.sel $0xFFFF  }
0xbf: {  	[dreg:$0x0] =	wrdreg $0xFFFFFFFF;
	(pc) =	sbr.abs _section_cstart, $3  }
0xc0: {  	[dreg:$0x1] =	wrdreg $0xFFFFFFFF  }
0xc1: {  	_ =	task.clear_ibuf [dreg:s7], $0x2FFFF;
	_ =	strace $0x9FFFFFFF  }
0xc2: {  	(tm) =	ssettm $0x7FFFFFFF  }
0xc3: {  	_ =	shalt  }
tec
execute0_lowered:
.L_overlay_start_1:
0x0: {  	(tag) =	ssettag $0x1  }
0x1: {  	s1 =	srdreg.scid;
	s5 =	rddreg [dreg:$0x0]  }
0x2: {  	s0 =	stileid.u32;
	s6 =	rddreg [dreg:$0x1];
	s4 =	sand.u32 $0x1, s1  }
0x3: {  	s2 =	simm.s32 $0x0;
	s3 =	simm.s32 $0x1;
	s1 =	sor.u32 s4, s0  }
0x4: {  	s10 =	simm.s32 $0x4000;
	p1 =	seq.s32 s4, $0x1;
	p0 =	seq.s32 s1, $0x0  }
0x5: {  	s11 =	simm.s32 $0x2;
	s13 =	simm.s32 $0x3;
	p0 =	por !p0, !p1  }
0x6: {  	s14 =	simm.s32 $0x0;
	[smem:$0x7FF] =	sst s2;
	p0 =	por !p0, !p0  }
0x7: {  	s7 =	sshll.u32 s4, $0x12;
	s30 =	ssub.s32 $0x2, s4;
	s3 =	simm.s32 @!p0 $0x0  }
0x8: {  	s4 =	sshll.u32 s4, $0xC;
	s1 =	rddreg [dreg:$0x2];
	s12 =	ssub.s32 s0, s3  }
0x9: {  	_ =	strace $0x80000047;
	s9 =	sshrl.u32 s30, $0x1;
	s8 =	sshll.u32 s12, $0xE  }
0xa: {  	s4 =	sadd.s32 s5, s4;
	s31 =	ssub.s32 s30, s9;
	s7 =	sadd.s32 s7, s8  }
0xb: {  	s5 =	sadd.s32 $0x10, s4;
	s9 =	simm.s32 $0x100;
	s7 =	sshrl.u32 s7, $0x3  }
0xc: {  	s3 =	simm.s32 $0x1;
	v0 =	vmov s12;
	s12 =	simm.s32 $0x8000;
	s6 =	sadd.s32 s7, s6  }
0xd: {  	v1 =	vimm.f32 $0.0e+00;
	v2 =	vimm.f32 $1.000000000e+00;
	s8 =	simm.s32 $0x80;
	s7 =	smax.u32 s31, $0x1;
	s6 =	sadd.s32 $0x1400, s6  }
.LBB2_1:
0xe: {  	[tilespmem:s2], [sflag:$0x1] =	stream.strided.gather [hbm4b:s4+s8], $0x4000, s9, s8, $0x38;
	[tilespmem:$0xC000] =	vst v63  }
0xf: {  	s15 =	simm.s32 $0x8100  }
0x10: {  	[tilespmem:s10], [sflag:$0x2] =	stream.strided.gather [hbm4b:s5+s8], $0x4000, s9, s8, $0x38;
	[tilespmem:$0xC000] =	vst v63  }
0x11: {  	[tilespmem:s15+$0xFFFFFF00] =	vst v1  }
0x12: {  	[tilespmem:s15+$0xF0] =	vst v1  }
0x13: {  	[tilespmem:s15+$0xE0] =	vst v1  }
0x14: {  	[tilespmem:s15+$0xD0] =	vst v1  }
0x15: {  	[tilespmem:s15+$0xC0] =	vst v1  }
0x16: {  	[tilespmem:s15+$0xB0] =	vst v1  }
0x17: {  	[tilespmem:s15+$0xA0] =	vst v1  }
0x18: {  	[tilespmem:s15+$0x90] =	vst v1  }
0x19: {  	[tilespmem:s15+$0x80] =	vst v1  }
0x1a: {  	[tilespmem:s15+$0x70] =	vst v1  }
0x1b: {  	[tilespmem:s15+$0x60] =	vst v1  }
0x1c: {  	[tilespmem:s15+$0x50] =	vst v1  }
0x1d: {  	[tilespmem:s15+$0x40] =	vst v1  }
0x1e: {  	[tilespmem:s15+$0x30] =	vst v1  }
0x1f: {  	[tilespmem:s15+$0x20] =	vst v1  }
0x20: {  	[tilespmem:s15+$0x10] =	vst v1  }
0x21: {  	[tilespmem:s15+$0x0] =	vst v1  }
0x22: {  	[tilespmem:s15+$0xFFFFFFF0] =	vst v1  }
0x23: {  	[tilespmem:s15+$0xFFFFFFE0] =	vst v1  }
0x24: {  	[tilespmem:s15+$0xFFFFFFD0] =	vst v1  }
0x25: {  	[tilespmem:s15+$0xFFFFFFC0] =	vst v1  }
0x26: {  	[tilespmem:s15+$0xFFFFFFB0] =	vst v1  }
0x27: {  	[tilespmem:s15+$0xFFFFFFA0] =	vst v1  }
0x28: {  	[tilespmem:s15+$0xFFFFFF90] =	vst v1  }
0x29: {  	[tilespmem:s15+$0xFFFFFF80] =	vst v1  }
0x2a: {  	[tilespmem:s15+$0xFFFFFF70] =	vst v1  }
0x2b: {  	[tilespmem:s15+$0xFFFFFF60] =	vst v1  }
0x2c: {  	[tilespmem:s15+$0xFFFFFF50] =	vst v1  }
0x2d: {  	[tilespmem:s15+$0xFFFFFF40] =	vst v1  }
0x2e: {  	[tilespmem:s15+$0xFFFFFF30] =	vst v1  }
0x2f: {  	s16 =	simm.s32 $0x0;
	[tilespmem:s15+$0xFFFFFF20] =	vst v1  }
.LBB2_2:
0x30: {  	s16 =	sadd.s32 $0x4, s16;
	[tilespmem:s15+$0xFFFFFF10] =	vst v1;
	s15 =	sadd.s32 $0x200, s15  }
0x31: {  	[tilespmem:s15+$0xFFFFFF00] =	vst v1;
	p0 =	slt.u32 s16, $0x7C  }
0x32: {  	[tilespmem:s15+$0xF0] =	vst v1  }
0x33: {  	[tilespmem:s15+$0xE0] =	vst v1  }
0x34: {  	[tilespmem:s15+$0xD0] =	vst v1  }
0x35: {  	[tilespmem:s15+$0xC0] =	vst v1  }
0x36: {  	[tilespmem:s15+$0xB0] =	vst v1  }
0x37: {  	[tilespmem:s15+$0xA0] =	vst v1  }
0x38: {  	[tilespmem:s15+$0x90] =	vst v1  }
0x39: {  	[tilespmem:s15+$0x80] =	vst v1  }
0x3a: {  	[tilespmem:s15+$0x70] =	vst v1  }
0x3b: {  	[tilespmem:s15+$0x60] =	vst v1  }
0x3c: {  	[tilespmem:s15+$0x50] =	vst v1  }
0x3d: {  	[tilespmem:s15+$0x40] =	vst v1  }
0x3e: {  	[tilespmem:s15+$0x30] =	vst v1  }
0x3f: {  	[tilespmem:s15+$0x20] =	vst v1  }
0x40: {  	[tilespmem:s15+$0x10] =	vst v1  }
0x41: {  	[tilespmem:s15+$0x0] =	vst v1  }
0x42: {  	[tilespmem:s15+$0xFFFFFFF0] =	vst v1  }
0x43: {  	[tilespmem:s15+$0xFFFFFFE0] =	vst v1  }
0x44: {  	[tilespmem:s15+$0xFFFFFFD0] =	vst v1  }
0x45: {  	[tilespmem:s15+$0xFFFFFFC0] =	vst v1  }
0x46: {  	[tilespmem:s15+$0xFFFFFFB0] =	vst v1  }
0x47: {  	[tilespmem:s15+$0xFFFFFFA0] =	vst v1  }
0x48: {  	[tilespmem:s15+$0xFFFFFF90] =	vst v1  }
0x49: {  	[tilespmem:s15+$0xFFFFFF80] =	vst v1  }
0x4a: {  	[tilespmem:s15+$0xFFFFFF70] =	vst v1  }
.Ltmp0:
0x4b: {  	[tilespmem:s15+$0xFFFFFF60] =	vst v1;
	(pc) =	sbr.rel @p0 .LBB2_2-.Ltmp0, $4  }
0x4c: {  	[tilespmem:s15+$0xFFFFFF50] =	vst v1  }
0x4d: {  	[tilespmem:s15+$0xFFFFFF40] =	vst v1  }
0x4e: {  	[tilespmem:s15+$0xFFFFFF30] =	vst v1  }
0x4f: {  	[tilespmem:s15+$0xFFFFFF20] =	vst v1  }
0x50: {  	[tilespmem:s15+$0xFFFFFF10] =	vst v1  }
0x51: {  	_ =	swait.ge [sflag:s3], $0x4000  }
0x52: {  	[sflag:s3] =	ssyncset.done $0x0  }
0x53: {  	[sflag:s3] =	ssyncadd.s32 $0xFFFFC000  }
0x54: {  	_ =	swait.ge [sflag:s11], $0x4000  }
0x55: {  	[sflag:s11] =	ssyncset.done $0x0  }
0x56: {  	s16 =	simm.s32 $0x40;
	[sflag:s11] =	ssyncadd.s32 $0xFFFFC000  }
0x57: {  	s15 =	simm.s32 $0x4040;
	v3 =	vld [tilespmem:s16+$0x30]  }
0x58: {  	v4 =	vld [tilespmem:s15+$0x30]  }
0x59: {  	v5 =	vld [tilespmem:s15+$0xFFFFFFC0]  }
0x5a: {  	v6 =	vld [tilespmem:s16+$0xFFFFFFD0]  }
0x5b: {  	v7 =	vld [tilespmem:s15+$0xFFFFFFD0]  }
0x5c: {  	v8 =	vld [tilespmem:s16+$0xFFFFFFE0]  }
0x5d: {  	v10 =	vld [tilespmem:s15+$0xFFFFFFE0]  }
0x5e: {  	v12 =	vld [tilespmem:s16+$0xFFFFFFF0]  }
0x5f: {  	v17 =	vld [tilespmem:s15+$0x10];
	v9 =	vshrl.u32 v3, $0x7  }
0x60: {  	v22 =	vld [tilespmem:s16+$0x20];
	v11 =	vshrl.u32 v4, $0x7;
	v3 =	vand.u32 $0x7F, v3;
	v4 =	vand.u32 $0x7F, v4  }
0x61: {  	v13 =	vand.u32 $0x7F, v5;
	v14 =	vand.u32 $0x7F, v6;
	v16 =	vand.u32 $0x7F, v7  }
0x62: {  	v18 =	vand.u32 $0x7F, v8;
	v6 =	vshrl.u32 v6, $0x7;
	v7 =	vshrl.u32 v7, $0x7  }
0x63: {  	v19 =	vand.u32 $0x7F, v10;
	v8 =	vshrl.u32 v8, $0x7;
	v21 =	vand.u32 $0x7F, v12  }
0x64: {  	v23 =	vshrl.u32 v10, $0x7;
	v12 =	vshrl.u32 v12, $0x7;
	v34 =	vshrl.u32 v17, $0x7  }
0x65: {  	v35 =	vand.u32 $0x7F, v17;
	v36 =	vshrl.u32 v22, $0x7;
	vm0 =	veq.s32 v9, v0  }
0x66: {  	vm1 =	veq.s32 v11, v0;
	v9 =	vmin.u32 v3, v4;
	v3 =	vmax.u32 v3, v4  }
0x67: {  	v10 =	vld [tilespmem:s15+$0x20];
	v20 =	vmin.u32 v14, v16;
	v24 =	vmin.u32 v18, v19;
	vm3 =	veq.s32 v7, v0  }
0x68: {  	v11 =	vld [tilespmem:s15+$0xFFFFFFF0];
	vm4 =	veq.s32 v8, v0;
	vm7 =	veq.s32 v23, v0;
	vm5 =	veq.s32 v12, v0  }
0x69: {  	vm12 =	veq.s32 v34, v0;
	v16 =	vmax.u32 v14, v16;
	v4 =	vshll.u32 v9, $0x7;
	v9 =	vld [tilespmem:s16+$0x0]  }
0x6a: {  	v14 =	vmax.u32 v18, v19;
	vm11 =	vmand vm0, vm1;
	v15 =	vor.u32 v3, v4;
	v3 =	vld [tilespmem:s15+$0x0]  }
0x6b: {  	vm1 =	veq.s32 v6, v0;
	v6 =	vshll.u32 v24, $0x7;
	v4 =	vshrl.u32 v5, $0x7;
	v5 =	vld [tilespmem:s16+$0x10]  }
0x6c: {  	v27 =	vld [tilespmem:s16+$0xFFFFFFC0];
	vm0 =	veq.s32 v4, v0;
	v63 =	vshrl.u32 v10, $0x7;
	v4 =	vand.u32 $0x7F, v10  }
0x6d: {  	v25 =	vand.u32 $0x7F, v11;
	v11 =	vshrl.u32 v11, $0x7;
	vm13 =	veq.s32 v63, v0  }
0x6e: {  	v26 =	vand.u32 $0x7F, v9;
	v28 =	vmin.u32 v21, v25;
	v9 =	vshrl.u32 v9, $0x7  }
0x6f: {  	vm8 =	veq.s32 v11, v0;
	v29 =	vand.u32 $0x7F, v3;
	v30 =	vshrl.u32 v3, $0x7  }
0x70: {  	v32 =	vand.u32 $0x7F, v5;
	v33 =	vshrl.u32 v5, $0x7;
	v3 =	vand.u32 $0x7F, v22  }
0x71: {  	v5 =	vshrl.u32 v27, $0x7;
	v27 =	vand.u32 $0x7F, v27;
	vm6 =	veq.s32 v9, v0  }
0x72: {  	v7 =	vshll.u32 v28, $0x7;
	[tilespmem:v15+s12+$0x0] =	vst.idx.msk vm11, v2;
	vm11 =	veq.s32 v36, v0;
	v15 =	vmax.u32 v21, v25  }
0x73: {  	v31 =	vmin.u32 v26, v29;
	v17 =	vmin.u32 v32, v35;
	vm2 =	veq.s32 v5, v0  }
0x74: {  	v37 =	vmin.u32 v3, v4;
	v5 =	vmin.u32 v27, v13;
	vm9 =	veq.s32 v30, v0  }
0x75: {  	vm10 =	veq.s32 v33, v0;
	v12 =	vmax.u32 v32, v35;
	v10 =	vshll.u32 v5, $0x7  }
0x76: {  	v5 =	vshll.u32 v20, $0x7;
	v8 =	vshll.u32 v31, $0x7;
	v9 =	vshll.u32 v17, $0x7  }
0x77: {  	s17 =	simm.s32 $0xC0;
	s16 =	simm.s32 $0x0;
	v11 =	vshll.u32 v37, $0x7;
	v17 =	vmax.u32 v27, v13;
	v13 =	vmax.u32 v26, v29  }
.LBB2_4:
0x78: {  	v18 =	vld [tilespmem:s17+$0x30];
	vm15 =	vmand vm2, vm0;
	v10 =	vor.u32 v17, v10;
	v3 =	vmax.u32 v3, v4;
	s15 =	sadd.s32 $0x80, s15  }
0x79: {  	s16 =	sadd.s32 $0x8, s16;
	vm14 =	vmand vm1, vm3;
	v5 =	vor.u32 v16, v5;
	vm4 =	vmand vm4, vm7;
	v4 =	vld [tilespmem:s15+$0x30]  }
0x7a: {  	v6 =	vor.u32 v14, v6;
	vm3 =	vmand vm5, vm8;
	v7 =	vor.u32 v15, v7;
	p0 =	slt.u32 s16, $0x3F8;
	v16 =	vld [tilespmem:s15+$0xFFFFFFC0]  }
0x7b: {  	vm2 =	vmand vm6, vm9;
	v8 =	vor.u32 v13, v8;
	vm1 =	vmand vm10, vm12;
	v14 =	vld [tilespmem:s17+$0xFFFFFFD0]  }
0x7c: {  	v9 =	vor.u32 v12, v9;
	vm0 =	vmand vm11, vm13;
	v3 =	vor.u32 v3, v11;
	v13 =	vld [tilespmem:s15+$0xFFFFFFD0]  }
0x7d: {  	v11 =	vld [tilespmem:s17+$0xFFFFFFE0];
	v12 =	vshrl.u32 v18, $0x7  }
0x7e: {  	v18 =	vand.u32 $0x7F, v18;
	v15 =	vld [tilespmem:s15+$0xFFFFFFE0];
	v17 =	vshrl.u32 v4, $0x7;
	v4 =	vand.u32 $0x7F, v4;
	[tilespmem:v10+s12+$0x0] =	vst.idx.msk vm15, v2  }
0x7f: {  	vm5 =	veq.s32 v12, v0;
	v10 =	vld [tilespmem:s17+$0xFFFFFFF0];
	vm6 =	veq.s32 v17, v0;
	v12 =	vmin.u32 v18, v4  }
0x80: {  	v4 =	vmax.u32 v18, v4;
	v17 =	vld [tilespmem:s15+$0xFFFFFFF0];
	vm5 =	vmand vm5, vm6;
	v12 =	vshll.u32 v12, $0x7;
	[tilespmem:v5+s12+$0x0] =	vst.idx.msk vm14, v2  }
0x81: {  	v18 =	vand.u32 $0x7F, v16;
	v19 =	vand.u32 $0x7F, v14;
	v5 =	vld [tilespmem:s17+$0x0];
	v4 =	vor.u32 v4, v12;
	[tilespmem:v6+s12+$0x0] =	vst.idx.msk vm4, v2  }
0x82: {  	v6 =	vshrl.u32 v16, $0x7;
	v12 =	vand.u32 $0x7F, v13;
	v20 =	vand.u32 $0x7F, v11;
	v16 =	vld [tilespmem:s15+$0x0];
	[tilespmem:v7+s12+$0x0] =	vst.idx.msk vm3, v2  }
0x83: {  	v13 =	vshrl.u32 v13, $0x7;
	v7 =	vshrl.u32 v14, $0x7;
	v14 =	vand.u32 $0x7F, v15;
	v21 =	vld [tilespmem:s17+$0x10];
	[tilespmem:v8+s12+$0x0] =	vst.idx.msk vm2, v2  }
0x84: {  	v11 =	vshrl.u32 v11, $0x7;
	v8 =	vmin.u32 v19, v12;
	v22 =	vand.u32 $0x7F, v10;
	v23 =	vld [tilespmem:s15+$0x10];
	[tilespmem:v9+s12+$0x0] =	vst.idx.msk vm1, v2  }
0x85: {  	v9 =	vshrl.u32 v15, $0x7;
	v15 =	vmin.u32 v20, v14;
	v24 =	vand.u32 $0x7F, v17;
	v25 =	vld [tilespmem:s17+$0x20];
	[tilespmem:v3+s12+$0x0] =	vst.idx.msk vm0, v2  }
0x86: {  	v26 =	vshrl.u32 v10, $0x7;
	v17 =	vshrl.u32 v17, $0x7;
	v27 =	vand.u32 $0x7F, v5;
	v10 =	vld [tilespmem:s15+$0x20];
	[tilespmem:v4+s12+$0x0] =	vst.idx.msk vm5, v2  }
0x87: {  	v29 =	vmin.u32 v22, v24;
	v30 =	vshrl.u32 v5, $0x7;
	v28 =	vld [tilespmem:s17+$0xFFFFFFC0];
	v31 =	vand.u32 $0x7F, v16  }
0x88: {  	v16 =	vshrl.u32 v16, $0x7;
	v32 =	vmin.u32 v27, v31;
	v33 =	vand.u32 $0x7F, v21  }
0x89: {  	v21 =	vshrl.u32 v21, $0x7;
	v34 =	vshrl.u32 v23, $0x7;
	v23 =	vand.u32 $0x7F, v23  }
0x8a: {  	v35 =	vmin.u32 v33, v23;
	v36 =	vshrl.u32 v25, $0x7;
	v3 =	vand.u32 $0x7F, v25  }
0x8b: {  	vm0 =	veq.s32 v6, v0;
	v25 =	vshrl.u32 v10, $0x7;
	v4 =	vand.u32 $0x7F, v10  }
0x8c: {  	v5 =	vshrl.u32 v28, $0x7;
	v28 =	vand.u32 $0x7F, v28;
	v37 =	vmin.u32 v3, v4  }
0x8d: {  	vm1 =	veq.s32 v7, v0;
	vm2 =	veq.s32 v5, v0;
	v5 =	vmin.u32 v28, v18  }
0x8e: {  	vm3 =	veq.s32 v13, v0;
	v10 =	vshll.u32 v5, $0x7;
	v5 =	vshll.u32 v8, $0x7  }
0x8f: {  	vm4 =	veq.s32 v11, v0;
	vm7 =	veq.s32 v9, v0;
	v6 =	vshll.u32 v15, $0x7  }
0x90: {  	vm5 =	veq.s32 v26, v0;
	vm8 =	veq.s32 v17, v0;
	v7 =	vshll.u32 v29, $0x7  }
.Ltmp1:
0x91: {  	vm6 =	veq.s32 v30, v0;
	vm9 =	veq.s32 v16, v0;
	v8 =	vshll.u32 v32, $0x7;
	(pc) =	sbr.rel @p0 .LBB2_4-.Ltmp1, $4  }
0x92: {  	vm10 =	veq.s32 v21, v0;
	vm12 =	veq.s32 v34, v0;
	v9 =	vshll.u32 v35, $0x7  }
0x93: {  	vm11 =	veq.s32 v36, v0;
	vm13 =	veq.s32 v25, v0;
	v11 =	vshll.u32 v37, $0x7  }
0x94: {  	v14 =	vmax.u32 v20, v14;
	v16 =	vmax.u32 v19, v12;
	v17 =	vmax.u32 v28, v18  }
0x95: {  	v15 =	vmax.u32 v22, v24;
	s17 =	sadd.s32 $0x80, s17;
	v13 =	vmax.u32 v27, v31;
	v12 =	vmax.u32 v33, v23  }
0x96: {  	vm0 =	vmand vm2, vm0  }
0x97: {  	v10 =	vor.u32 v17, v10;
	vm1 =	vmand vm1, vm3  }
0x98: {  	v5 =	vor.u32 v16, v5;
	vm2 =	vmand vm4, vm7  }
0x99: {  	v6 =	vor.u32 v14, v6;
	vm3 =	vmand vm5, vm8  }
0x9a: {  	v7 =	vor.u32 v15, v7;
	vm9 =	vmand vm6, vm9  }
0x9b: {  	v8 =	vor.u32 v13, v8;
	vm14 =	vmand vm10, vm12  }
0x9c: {  	v3 =	vmax.u32 v3, v4;
	v63 =	vor.u32 v12, v9;
	vm15 =	vmand vm11, vm13;
	[tilespmem:v10+s12+$0x0] =	vst.idx.msk vm0, v2  }
0x9d: {  	v3 =	vor.u32 v3, v11;
	[tilespmem:v5+s12+$0x0] =	vst.idx.msk vm1, v2  }
0x9e: {  	[tilespmem:v6+s12+$0x0] =	vst.idx.msk vm2, v2  }
0x9f: {  	[tilespmem:v7+s12+$0x0] =	vst.idx.msk vm3, v2  }
0xa0: {  	s14 =	sadd.s32 $0x1, s14;
	[tilespmem:v8+s12+$0x0] =	vst.idx.msk vm9, v2  }
0xa1: {  	p0 =	sne.s32 s14, s7;
	[tilespmem:v63+s12+$0x0] =	vst.idx.msk vm14, v2  }
.Ltmp2:
0xa2: {  	[tilespmem:v3+s12+$0x0] =	vst.idx.msk vm15, v2;
	(pc) =	sbr.rel @p0 .LBB2_1-.Ltmp2, $4  }
0xa3: {  	[hbm4b:s6+s2] =	stream.linear.scatter [tilespmem:s12], [sflag:$0x3], $0x4000, $0x38;
	[tilespmem:$0xC000] =	vst v63  }
0xa4: {  	_ =	swait.ge [sflag:s13], $0x4000  }
0xa5: {  	[sflag:s13] =	ssyncset.done $0x0  }
0xa6: {  	[sflag:s13] =	ssyncadd.s32 $0xFFFFC000  }
0xa7: {  	_ =	sfence.sel $0x180000  }
0xa8: {  	[bflag:$0x0] =	sbarrier.arrive $0xFFFF  }
0xa9: {  	p0 =	sne.s32 s0, $0x0;
	_ =	strace $0x90000047  }
0xaa: {  	s0 =	sadd.s32 @!p0 $0x100000, s1;
	[bflag:$0x2] =	sbarrier.arrive $0xFFFF  }
0xab: {  	[sflag:s0] =	ssyncadd.tile.s32 @!p0 $0x1;
	_ =	shalt  }
.Lfunc_end2:
_tile_overlayer_lowered:
.L_overlay_start_2:
0xac: {  	(tag) =	ssettag $0x2  }
0xad: {  	s0 =	rddreg [dreg:$0x0];
	s2 =	stileid.u32  }
0xae: {  	s1 =	rddreg [dreg:$0x1];
	p0 =	sne.s32 s2, $0x0  }
0xaf: {  	s3 =	rddreg [dreg:$0x2];
	[bflag:$0x3] =	sbarrier.arrive $0xFFFF;
	s2 =	simm.s32 @!p0 $0x1C03  }
0xb0: {  	[timem:s3], [sflag:s2] =	dma.local @!p0 [hbm:s0], s1  }
0xb1: {  	s0 =	simm.s32 @!p0 $0x3  }
0xb2: {  	_ =	swait.ge @!p0 [sflag:s0], s1  }
0xb3: {  	s1 =	ssub.s32 @!p0 $0x0, s1;
	[sflag:s0] =	ssyncset.done @!p0 $0x0  }
0xb4: {  	[sflag:s0] =	ssyncadd.s32 @!p0 s1  }
0xb5: {  	[bflag:$0x3] =	sbarrier.arrive $0xFFFF  }
0xb6: {  	_ =	shalt  }

</sc_bundles>
